<compile_context>
chip_gen: v7x
topology: tpu7x:2x2x1
jax: 0.10.2.dev20260603
libtpu: 0.0.44.dev20260713+nightly
codegen_flags: <defaults>
</compile_context>

<pallas_src>
import functools

import jax
import jax.numpy as jnp
from jax import lax
from jax.experimental import pallas as pl
from jax.experimental.pallas import tpu as pltpu
from jax.experimental.pallas import tpu_sc as plsc

_N = 100000
_WIN = 128
_TAIL0 = (_N // _WIN) * _WIN
_TAILW = _N - _TAIL0
_C0MAX = _TAIL0 - _WIN

_GATHER_DNUMS = lax.GatherDimensionNumbers(
    offset_dims=(), collapsed_slice_dims=(0,), start_index_map=(0,))


def _shuf(x, idx):
    return lax.gather(x, idx[:, None], _GATHER_DNUMS, (1,),
                      mode=lax.GatherScatterMode.PROMISE_IN_BOUNDS)


def _rsqrt(x):
    i = lax.bitcast_convert_type(x, jnp.int32)
    i = jnp.int32(0x5F3759DF) - (i >> 1)
    y = lax.bitcast_convert_type(i, jnp.float32)
    for _ in range(3):
        y = y * (1.5 - 0.5 * x * y * y)
    return y


_MESH = plsc.VectorSubcoreMesh(core_axis_name="c", subcore_axis_name="s", num_cores=1, num_subcores=1)


@functools.partial(
    pl.kernel,
    out_type=jax.ShapeDtypeStruct((16,), jnp.float32),
    mesh=_MESH,
    scratch_types=[
        pltpu.VMEM((16,), jnp.int32),
        pltpu.VMEM((6, _WIN), jnp.float32),
        pltpu.VMEM((6, _TAILW), jnp.float32),
        pltpu.VMEM((3, _WIN), jnp.float32),
        pltpu.VMEM((3, _TAILW), jnp.float32),
        pltpu.VMEM((16,), jnp.float32),
        pltpu.SemaphoreType.DMA,
    ],
)
def _pose_kernel(r6_hbm, t3_hbm, t_hbm, out_hbm,
                 tv, r6a_v, r6b_v, t3a_v, t3b_v, out_v, sem):
    cid = lax.axis_index("c")
    sid = lax.axis_index("s")

    @pl.when(jnp.logical_and(cid == 0, sid == 0))
    def _():
        pltpu.sync_copy(t_hbm, tv)
        vt = tv[...]
        lane = lax.iota(jnp.int32, 16)

        c0 = jnp.minimum((vt >> 7) << 7, _C0MAX)
        c0s = pl.multiple_of(c0[0], _WIN)
        is_tail = vt[0] >= _TAIL0
        cp_a = pltpu.async_copy(r6_hbm.at[:, pl.ds(c0s, _WIN)], r6a_v, sem)
        cp_c = pltpu.async_copy(t3_hbm.at[:, pl.ds(c0s, _WIN)], t3a_v, sem)

        @pl.when(is_tail)
        def _fetch_tail():
            cp_b = pltpu.async_copy(
                r6_hbm.at[:, pl.ds(_TAIL0, _TAILW)], r6b_v, sem)
            cp_d = pltpu.async_copy(
                t3_hbm.at[:, pl.ds(_TAIL0, _TAILW)], t3b_v, sem)
            cp_b.wait()
            cp_d.wait()

        cp_a.wait()
        cp_c.wait()

        tail = vt >= _TAIL0
        ca = vt - c0
        cb = vt - _TAIL0
        csel = jnp.where(tail, cb, ca)
        chunk = csel >> 4
        off = csel & 15
        wk = [jnp.where(chunk == k, 1.0, 0.0).astype(jnp.float32)
              for k in range(_WIN // 16)]

        def extract(buf_a, buf_b, j):
            val_tail = buf_b[j, 0:16] * wk[0] + buf_b[j, 16:32] * wk[1]
            val_main = buf_a[j, 0:16] * wk[0]
            for k in range(1, _WIN // 16):
                val_main = val_main + buf_a[j, 16 * k:16 * (k + 1)] * wk[k]
            return _shuf(jnp.where(tail, val_tail, val_main), off)

        row6 = extract(r6a_v, r6b_v, 0)
        for j in range(1, 6):
            row6 = jnp.where(lane == j, extract(r6a_v, r6b_v, j), row6)
        row3 = extract(t3a_v, t3b_v, 0)
        for j in range(1, 3):
            row3 = jnp.where(lane == j, extract(t3a_v, t3b_v, j), row3)

        grp = (jnp.where(lane >= 3, 1, 0) + jnp.where(lane >= 6, 1, 0)
               + jnp.where(lane >= 9, 1, 0) + jnp.where(lane >= 12, 1, 0)
               + jnp.where(lane >= 15, 1, 0))
        g3 = grp * 3
        e = lane - g3
        v_ga = _shuf(row6, e + jnp.where(grp >= 2, 3, 0))
        v_gb = _shuf(row6, e + jnp.where(grp >= 1, 3, 0))
        prod = v_ga * v_gb
        one = jnp.int32(1)
        e1 = e + jnp.where(e >= 2, -2, one)
        e2 = e1 + jnp.where(e1 >= 2, -2, one)
        g1 = jnp.minimum(g3 + e1, 15)
        g2 = jnp.minimum(g3 + e2, 15)
        dots = prod + _shuf(prod, g1) + _shuf(prod, g2)
        zero = lane * 0
        xx = _shuf(dots, zero)
        xy = _shuf(dots, zero + 3)
        yy = _shuf(dots, zero + 6)

        s = xy / xx
        cc = yy - s * xy
        r1 = _rsqrt(xx)
        rc = _rsqrt(cc)

        pat_x = jnp.minimum(lane & 3, 5)
        v_x = _shuf(row6, pat_x)
        v_y = _shuf(row6, jnp.minimum(pat_x + 3, 5))
        m_b3 = jnp.logical_and(lane >= 8, lane < 11)
        q = lane - 8
        i1 = jnp.where(m_b3, lax.rem(q + 1, 3), 0)
        i2 = jnp.where(m_b3, lax.rem(q + 2, 3), 0)
        v_p = _shuf(row6, i1)
        v_q = _shuf(row6, i2 + 3)
        v_r = _shuf(row6, i2)
        v_s = _shuf(row6, i1 + 3)
        vb3 = (r1 * rc) * (v_p * v_q - v_r * v_s)
        m_t = jnp.logical_or(jnp.logical_or(lane == 3, lane == 7), lane == 11)
        v_t = _shuf(row3, jnp.where(m_t, (lane - 3) >> 2, 0))

        m_b1 = lane < 3
        m_b2 = jnp.logical_and(lane >= 4, lane < 7)
        tailc = jnp.where(lane == 15, 1.0, 0.0).astype(jnp.float32)
        out = jnp.where(
            m_b1,
            r1 * v_x,
            jnp.where(
                m_b2,
                rc * (v_y - s * v_x),
                jnp.where(m_b3, vb3, jnp.where(m_t, v_t, tailc)),
            ),
        )
        out_v[...] = out
        pltpu.sync_copy(out_v, out_hbm)


def kernel(R_6d, T, t):
    r6t = R_6d.T
    t3t = T.T
    tvec = jnp.full((16,), t, dtype=jnp.int32)
    flat = _pose_kernel(r6t, t3t, tvec)
    return flat.reshape(4, 4)

# --- scband reference (transcript-rebuilt; emitter-appended) ---
"""Pipeline reference for scband-six-dim-camera-model-66236985639249 (READ-ONLY COPY).

The authoritative reference and input builder live on the scoring server;
editing this copy changes nothing except your own understanding.
"""

import jax, jax.numpy as jnp
import numpy as np


def rotation_6d_to_matrix(d6):
    a1 = d6[..., :3]
    a2 = d6[..., 3:]
    b1 = a1 / jnp.linalg.norm(a1, axis=-1, keepdims=True)
    dot = jnp.sum(b1 * a2, axis=-1, keepdims=True)
    b2 = a2 - dot * b1
    b2 = b2 / jnp.linalg.norm(b2, axis=-1, keepdims=True)
    b3 = jnp.cross(b1, b2)
    return jnp.stack([b1, b2, b3], axis=-2)


def matrix_to_rotation_6d(m):
    return m[..., :2, :].reshape(m.shape[:-2] + (6,))


def setup_inputs(seed: int = 0):
    key = jax.random.key(seed)
    k1, k2 = jax.random.split(key)
    N = 100000
    # init args: R (valid rotation matrices) and T; parameters are R_6d = matrix_to_rotation_6d(R) and T
    raw6 = jax.random.normal(k1, (N, 6), dtype=jnp.float32)
    R = rotation_6d_to_matrix(raw6)
    R_6d = matrix_to_rotation_6d(R)
    T = jax.random.normal(k2, (N, 3), dtype=jnp.float32)
    t = 54321
    return {"R_6d": R_6d, "T": T, "t": t}


def reference(R_6d, T, t):
    R = rotation_6d_to_matrix(R_6d)[t]
    tt = T[t]
    exp_i = jnp.zeros((4, 4), dtype=R_6d.dtype)
    exp_i = exp_i.at[:3, :3].set(R)
    exp_i = exp_i.at[:3, 3].set(tt)
    exp_i = exp_i.at[3, 3].set(1.0)
    return exp_i

if __name__ == "__main__":
    import jax
    _d = setup_inputs()
    print(jax.jit(kernel)(*tuple(_d.values())))

</pallas_src>

<mosaic_0001>
#map = affine_map<(d0, d1) -> (0, 0)>
#map1 = affine_map<(d0, d1) -> (0)>
module attributes {stable_mosaic.version = 14 : i64} {
  func.func @_pose_kernel(%arg0: i32, %arg1: i32, %arg2: memref<6x100000xf32, #tpu.memory_space<hbm>>, %arg3: memref<3x100000xf32, #tpu.memory_space<hbm>>, %arg4: memref<16xi32, #tpu.memory_space<hbm>>, %arg5: memref<16xf32, #tpu.memory_space<hbm>>, %arg6: memref<16xi32, #tpu.memory_space<vmem>>, %arg7: memref<6x128xf32, #tpu.memory_space<vmem>>, %arg8: memref<6x32xf32, #tpu.memory_space<vmem>>, %arg9: memref<3x128xf32, #tpu.memory_space<vmem>>, %arg10: memref<3x32xf32, #tpu.memory_space<vmem>>, %arg11: memref<16xf32, #tpu.memory_space<vmem>>, %arg12: memref<!tpu.dma_semaphore, #tpu.memory_space<semaphore_mem>>) attributes {dimension_semantics = [#tpu.dimension_semantics<core_parallel>, #tpu.dimension_semantics<subcore_parallel>], iteration_bounds = array<i64: 1, 1>, scalar_prefetch = 0 : i64, scratch_operands = 7 : i64, tpu.core_type = #tpu.core_type<sc_vector_subcore>, window_params = [{transform_indices = #map}, {transform_indices = #map}, {transform_indices = #map1}, {transform_indices = #map1}]} {
    %eq3A = arith.constant 0 : i32
    %eq3A_0 = arith.cmpi eq, %arg0, %eq3A : i32
    %eq3A_1 = arith.constant 0 : i32
    %eq3A_2 = arith.cmpi eq, %arg1, %eq3A_1 : i32
    %and3A = arith.andi %eq3A_0, %eq3A_2 : i1
    %convert_element_type3A = arith.extui %and3A : i1 to i32
    %cond3A = arith.constant 0 : i32
    %cond3A_3 = arith.cmpi ne, %convert_element_type3A, %cond3A : i32
    scf.if %cond3A_3 {
      "tpu.region"() ({
        %run_scoped3A = tpu.sem_alloc : memref<!tpu.dma_semaphore, #tpu.memory_space<semaphore_mem>>
        tpu.enqueue_dma source(%arg4 : memref<16xi32, #tpu.memory_space<hbm>>) target(%arg6 : memref<16xi32, #tpu.memory_space<vmem>>) target_semaphore(%run_scoped3A : memref<!tpu.dma_semaphore, #tpu.memory_space<semaphore_mem>>)
        tpu.wait_dma2 semaphore(%run_scoped3A : memref<!tpu.dma_semaphore, #tpu.memory_space<semaphore_mem>>) src(%arg4 : memref<16xi32, #tpu.memory_space<hbm>>) dst(%arg6 : memref<16xi32, #tpu.memory_space<vmem>>)
        tpu.yield
      }) : () -> ()
      %get3A = arith.constant 0 : index
      %get3A_4 = tpu.vector_load %arg6[%get3A] {strides = array<i32>} : memref<16xi32, #tpu.memory_space<vmem>>, vector<16xi32>,
      %get3A_5 = vector.shape_cast %get3A_4 : vector<16xi32> to vector<16xi32>
      %iota3A = tpu.iota {dimensions = array<i32: 0>} : vector<16xi32>
      %shift_right_arithmetic3A = arith.constant 7 : i32
      %shift_right_arithmetic3A_6 = vector.broadcast %shift_right_arithmetic3A : i32 to vector<16xi32>
      %shift_right_arithmetic3A_7 = arith.shrsi %get3A_5, %shift_right_arithmetic3A_6 : vector<16xi32>
      %shift_left3A = arith.constant 7 : i32
      %shift_left3A_8 = vector.broadcast %shift_left3A : i32 to vector<16xi32>
      %shift_left3A_9 = arith.shli %shift_right_arithmetic3A_7, %shift_left3A_8 : vector<16xi32>
      %min3A = arith.constant 99840 : i32
      %min3A_10 = vector.broadcast %min3A : i32 to vector<16xi32>
      %min3A_11 = arith.minsi %shift_left3A_9, %min3A_10 : vector<16xi32>
      %slice3A = vector.extract_strided_slice %min3A_11 {offsets = [0], sizes = [1], strides = [1]} : vector<16xi32> to vector<1xi32>
      %squeeze3A = vector.extract %slice3A[0] : i32 from vector<1xi32>
      %multiple_of3A = tpu.assume_multiple %squeeze3A, 128 : i32
      %slice3A_12 = vector.extract_strided_slice %get3A_5 {offsets = [0], sizes = [1], strides = [1]} : vector<16xi32> to vector<1xi32>
      %squeeze3A_13 = vector.extract %slice3A_12[0] : i32 from vector<1xi32>
      %ge3A = arith.constant 99968 : i32
      %ge3A_14 = arith.cmpi sge, %squeeze3A_13, %ge3A : i32
      %dma_start3A = arith.constant 0 : i32
      %dma_start3A_15 = tpu.memref_slice %arg2[%dma_start3A, %multiple_of3A] : memref<6x100000xf32, #tpu.memory_space<hbm>> -> memref<6x128xf32, #tpu.memory_space<hbm>>
      %dma_start3A_16 = arith.constant 0 : i32
      %dma_start3A_17 = tpu.memref_slice %arg2[%dma_start3A_16, %multiple_of3A] : memref<6x100000xf32, #tpu.memory_space<hbm>> -> memref<6x128xf32, #tpu.memory_space<hbm>>
      tpu.enqueue_dma source(%dma_start3A_17 : memref<6x128xf32, #tpu.memory_space<hbm>>) target(%arg7 : memref<6x128xf32, #tpu.memory_space<vmem>>) target_semaphore(%arg12 : memref<!tpu.dma_semaphore, #tpu.memory_space<semaphore_mem>>)
      %dma_start3A_18 = arith.constant 0 : i32
      %dma_start3A_19 = tpu.memref_slice %arg3[%dma_start3A_18, %multiple_of3A] : memref<3x100000xf32, #tpu.memory_space<hbm>> -> memref<3x128xf32, #tpu.memory_space<hbm>>
      %dma_start3A_20 = arith.constant 0 : i32
      %dma_start3A_21 = tpu.memref_slice %arg3[%dma_start3A_20, %multiple_of3A] : memref<3x100000xf32, #tpu.memory_space<hbm>> -> memref<3x128xf32, #tpu.memory_space<hbm>>
      tpu.enqueue_dma source(%dma_start3A_21 : memref<3x128xf32, #tpu.memory_space<hbm>>) target(%arg9 : memref<3x128xf32, #tpu.memory_space<vmem>>) target_semaphore(%arg12 : memref<!tpu.dma_semaphore, #tpu.memory_space<semaphore_mem>>)
      %convert_element_type3A_22 = arith.extui %ge3A_14 : i1 to i32
      %cond3A_23 = arith.constant 0 : i32
      %cond3A_24 = arith.cmpi ne, %convert_element_type3A_22, %cond3A_23 : i32
      scf.if %cond3A_24 {
        %dma_start3A_1093 = arith.constant 0 : i32
        %dma_start3A_1094 = arith.constant 99968 : i32
        %dma_start3A_1095 = tpu.memref_slice %arg2[%dma_start3A_1093, %dma_start3A_1094] : memref<6x100000xf32, #tpu.memory_space<hbm>> -> memref<6x32xf32, #tpu.memory_space<hbm>>
        %dma_start3A_1096 = arith.constant 0 : i32
        %dma_start3A_1097 = arith.constant 99968 : i32
        %dma_start3A_1098 = tpu.memref_slice %arg2[%dma_start3A_1096, %dma_start3A_1097] : memref<6x100000xf32, #tpu.memory_space<hbm>> -> memref<6x32xf32, #tpu.memory_space<hbm>>
        tpu.enqueue_dma source(%dma_start3A_1098 : memref<6x32xf32, #tpu.memory_space<hbm>>) target(%arg8 : memref<6x32xf32, #tpu.memory_space<vmem>>) target_semaphore(%arg12 : memref<!tpu.dma_semaphore, #tpu.memory_space<semaphore_mem>>)
        %dma_start3A_1099 = arith.constant 0 : i32
        %dma_start3A_1100 = arith.constant 99968 : i32
        %dma_start3A_1101 = tpu.memref_slice %arg3[%dma_start3A_1099, %dma_start3A_1100] : memref<3x100000xf32, #tpu.memory_space<hbm>> -> memref<3x32xf32, #tpu.memory_space<hbm>>
        %dma_start3A_1102 = arith.constant 0 : i32
        %dma_start3A_1103 = arith.constant 99968 : i32
        %dma_start3A_1104 = tpu.memref_slice %arg3[%dma_start3A_1102, %dma_start3A_1103] : memref<3x100000xf32, #tpu.memory_space<hbm>> -> memref<3x32xf32, #tpu.memory_space<hbm>>
        tpu.enqueue_dma source(%dma_start3A_1104 : memref<3x32xf32, #tpu.memory_space<hbm>>) target(%arg10 : memref<3x32xf32, #tpu.memory_space<vmem>>) target_semaphore(%arg12 : memref<!tpu.dma_semaphore, #tpu.memory_space<semaphore_mem>>)
        %dma_wait3A_1105 = arith.constant 0 : i32
        %dma_wait3A_1106 = arith.constant 99968 : i32
        %dma_wait3A_1107 = tpu.memref_slice %arg2[%dma_wait3A_1105, %dma_wait3A_1106] : memref<6x100000xf32, #tpu.memory_space<hbm>> -> memref<6x32xf32, #tpu.memory_space<hbm>>
        %dma_wait3A_1108 = arith.constant 0 : i32
        %dma_wait3A_1109 = arith.constant 99968 : i32
        %dma_wait3A_1110 = tpu.memref_slice %arg2[%dma_wait3A_1108, %dma_wait3A_1109] : memref<6x100000xf32, #tpu.memory_space<hbm>> -> memref<6x32xf32, #tpu.memory_space<hbm>>
        tpu.wait_dma2 semaphore(%arg12 : memref<!tpu.dma_semaphore, #tpu.memory_space<semaphore_mem>>) src(%dma_wait3A_1110 : memref<6x32xf32, #tpu.memory_space<hbm>>) dst(%arg8 : memref<6x32xf32, #tpu.memory_space<vmem>>)
        %dma_wait3A_1111 = arith.constant 0 : i32
        %dma_wait3A_1112 = arith.constant 99968 : i32
        %dma_wait3A_1113 = tpu.memref_slice %arg3[%dma_wait3A_1111, %dma_wait3A_1112] : memref<3x100000xf32, #tpu.memory_space<hbm>> -> memref<3x32xf32, #tpu.memory_space<hbm>>
        %dma_wait3A_1114 = arith.constant 0 : i32
        %dma_wait3A_1115 = arith.constant 99968 : i32
        %dma_wait3A_1116 = tpu.memref_slice %arg3[%dma_wait3A_1114, %dma_wait3A_1115] : memref<3x100000xf32, #tpu.memory_space<hbm>> -> memref<3x32xf32, #tpu.memory_space<hbm>>
        tpu.wait_dma2 semaphore(%arg12 : memref<!tpu.dma_semaphore, #tpu.memory_space<semaphore_mem>>) src(%dma_wait3A_1116 : memref<3x32xf32, #tpu.memory_space<hbm>>) dst(%arg10 : memref<3x32xf32, #tpu.memory_space<vmem>>)
      } else {
      }
      %dma_wait3A = arith.constant 0 : i32
      %dma_wait3A_25 = tpu.memref_slice %arg2[%dma_wait3A, %multiple_of3A] : memref<6x100000xf32, #tpu.memory_space<hbm>> -> memref<6x128xf32, #tpu.memory_space<hbm>>
      %dma_wait3A_26 = arith.constant 0 : i32
      %dma_wait3A_27 = tpu.memref_slice %arg2[%dma_wait3A_26, %multiple_of3A] : memref<6x100000xf32, #tpu.memory_space<hbm>> -> memref<6x128xf32, #tpu.memory_space<hbm>>
      tpu.wait_dma2 semaphore(%arg12 : memref<!tpu.dma_semaphore, #tpu.memory_space<semaphore_mem>>) src(%dma_wait3A_27 : memref<6x128xf32, #tpu.memory_space<hbm>>) dst(%arg7 : memref<6x128xf32, #tpu.memory_space<vmem>>)
      %dma_wait3A_28 = arith.constant 0 : i32
      %dma_wait3A_29 = tpu.memref_slice %arg3[%dma_wait3A_28, %multiple_of3A] : memref<3x100000xf32, #tpu.memory_space<hbm>> -> memref<3x128xf32, #tpu.memory_space<hbm>>
      %dma_wait3A_30 = arith.constant 0 : i32
      %dma_wait3A_31 = tpu.memref_slice %arg3[%dma_wait3A_30, %multiple_of3A] : memref<3x100000xf32, #tpu.memory_space<hbm>> -> memref<3x128xf32, #tpu.memory_space<hbm>>
      tpu.wait_dma2 semaphore(%arg12 : memref<!tpu.dma_semaphore, #tpu.memory_space<semaphore_mem>>) src(%dma_wait3A_31 : memref<3x128xf32, #tpu.memory_space<hbm>>) dst(%arg9 : memref<3x128xf32, #tpu.memory_space<vmem>>)
      %ge3A_32 = arith.constant 99968 : i32
      %ge3A_33 = vector.broadcast %ge3A_32 : i32 to vector<16xi32>
      %ge3A_34 = arith.cmpi sge, %get3A_5, %ge3A_33 : vector<16xi32>
      %sub3A = arith.subi %get3A_5, %min3A_11 : vector<16xi32>
      %sub3A_35 = arith.constant 99968 : i32
      %sub3A_36 = vector.broadcast %sub3A_35 : i32 to vector<16xi32>
      %sub3A_37 = arith.subi %get3A_5, %sub3A_36 : vector<16xi32>
      %select_n3A = arith.select %ge3A_34, %sub3A_37, %sub3A : vector<16xi1>, vector<16xi32>
      %shift_right_arithmetic3A_38 = arith.constant 4 : i32
      %shift_right_arithmetic3A_39 = vector.broadcast %shift_right_arithmetic3A_38 : i32 to vector<16xi32>
      %shift_right_arithmetic3A_40 = arith.shrsi %select_n3A, %shift_right_arithmetic3A_39 : vector<16xi32>
      %and3A_41 = arith.constant 15 : i32
      %and3A_42 = vector.broadcast %and3A_41 : i32 to vector<16xi32>
      %and3A_43 = arith.andi %select_n3A, %and3A_42 : vector<16xi32>
      %eq3A_44 = arith.constant 0 : i32
      %eq3A_45 = vector.broadcast %eq3A_44 : i32 to vector<16xi32>
      %eq3A_46 = arith.cmpi eq, %shift_right_arithmetic3A_40, %eq3A_45 : vector<16xi32>
      %jit3A = arith.constant 1.000000e+00 : f32
      %jit3A_47 = arith.constant 0.000000e+00 : f32
      %broadcast_in_dim3A = vector.broadcast %jit3A : f32 to vector<16xf32>
      %broadcast_in_dim3A_48 = vector.broadcast %jit3A_47 : f32 to vector<16xf32>
      %select_n3A_49 = arith.select %eq3A_46, %broadcast_in_dim3A, %broadcast_in_dim3A_48 : vector<16xi1>, vector<16xf32>
      %eq3A_50 = arith.constant 1 : i32
      %eq3A_51 = vector.broadcast %eq3A_50 : i32 to vector<16xi32>
      %eq3A_52 = arith.cmpi eq, %shift_right_arithmetic3A_40, %eq3A_51 : vector<16xi32>
      %jit3A_53 = arith.constant 1.000000e+00 : f32
      %jit3A_54 = arith.constant 0.000000e+00 : f32
      %broadcast_in_dim3A_55 = vector.broadcast %jit3A_53 : f32 to vector<16xf32>
      %broadcast_in_dim3A_56 = vector.broadcast %jit3A_54 : f32 to vector<16xf32>
      %select_n3A_57 = arith.select %eq3A_52, %broadcast_in_dim3A_55, %broadcast_in_dim3A_56 : vector<16xi1>, vector<16xf32>
      %eq3A_58 = arith.constant 2 : i32
      %eq3A_59 = vector.broadcast %eq3A_58 : i32 to vector<16xi32>
      %eq3A_60 = arith.cmpi eq, %shift_right_arithmetic3A_40, %eq3A_59 : vector<16xi32>
      %jit3A_61 = arith.constant 1.000000e+00 : f32
      %jit3A_62 = arith.constant 0.000000e+00 : f32
      %broadcast_in_dim3A_63 = vector.broadcast %jit3A_61 : f32 to vector<16xf32>
      %broadcast_in_dim3A_64 = vector.broadcast %jit3A_62 : f32 to vector<16xf32>
      %select_n3A_65 = arith.select %eq3A_60, %broadcast_in_dim3A_63, %broadcast_in_dim3A_64 : vector<16xi1>, vector<16xf32>
      %eq3A_66 = arith.constant 3 : i32
      %eq3A_67 = vector.broadcast %eq3A_66 : i32 to vector<16xi32>
      %eq3A_68 = arith.cmpi eq, %shift_right_arithmetic3A_40, %eq3A_67 : vector<16xi32>
      %jit3A_69 = arith.constant 1.000000e+00 : f32
      %jit3A_70 = arith.constant 0.000000e+00 : f32
      %broadcast_in_dim3A_71 = vector.broadcast %jit3A_69 : f32 to vector<16xf32>
      %broadcast_in_dim3A_72 = vector.broadcast %jit3A_70 : f32 to vector<16xf32>
      %select_n3A_73 = arith.select %eq3A_68, %broadcast_in_dim3A_71, %broadcast_in_dim3A_72 : vector<16xi1>, vector<16xf32>
      %eq3A_74 = arith.constant 4 : i32
      %eq3A_75 = vector.broadcast %eq3A_74 : i32 to vector<16xi32>
      %eq3A_76 = arith.cmpi eq, %shift_right_arithmetic3A_40, %eq3A_75 : vector<16xi32>
      %jit3A_77 = arith.constant 1.000000e+00 : f32
      %jit3A_78 = arith.constant 0.000000e+00 : f32
      %broadcast_in_dim3A_79 = vector.broadcast %jit3A_77 : f32 to vector<16xf32>
      %broadcast_in_dim3A_80 = vector.broadcast %jit3A_78 : f32 to vector<16xf32>
      %select_n3A_81 = arith.select %eq3A_76, %broadcast_in_dim3A_79, %broadcast_in_dim3A_80 : vector<16xi1>, vector<16xf32>
      %eq3A_82 = arith.constant 5 : i32
      %eq3A_83 = vector.broadcast %eq3A_82 : i32 to vector<16xi32>
      %eq3A_84 = arith.cmpi eq, %shift_right_arithmetic3A_40, %eq3A_83 : vector<16xi32>
      %jit3A_85 = arith.constant 1.000000e+00 : f32
      %jit3A_86 = arith.constant 0.000000e+00 : f32
      %broadcast_in_dim3A_87 = vector.broadcast %jit3A_85 : f32 to vector<16xf32>
      %broadcast_in_dim3A_88 = vector.broadcast %jit3A_86 : f32 to vector<16xf32>
      %select_n3A_89 = arith.select %eq3A_84, %broadcast_in_dim3A_87, %broadcast_in_dim3A_88 : vector<16xi1>, vector<16xf32>
      %eq3A_90 = arith.constant 6 : i32
      %eq3A_91 = vector.broadcast %eq3A_90 : i32 to vector<16xi32>
      %eq3A_92 = arith.cmpi eq, %shift_right_arithmetic3A_40, %eq3A_91 : vector<16xi32>
      %jit3A_93 = arith.constant 1.000000e+00 : f32
      %jit3A_94 = arith.constant 0.000000e+00 : f32
      %broadcast_in_dim3A_95 = vector.broadcast %jit3A_93 : f32 to vector<16xf32>
      %broadcast_in_dim3A_96 = vector.broadcast %jit3A_94 : f32 to vector<16xf32>
      %select_n3A_97 = arith.select %eq3A_92, %broadcast_in_dim3A_95, %broadcast_in_dim3A_96 : vector<16xi1>, vector<16xf32>
      %eq3A_98 = arith.constant 7 : i32
      %eq3A_99 = vector.broadcast %eq3A_98 : i32 to vector<16xi32>
      %eq3A_100 = arith.cmpi eq, %shift_right_arithmetic3A_40, %eq3A_99 : vector<16xi32>
      %jit3A_101 = arith.constant 1.000000e+00 : f32
      %jit3A_102 = arith.constant 0.000000e+00 : f32
      %broadcast_in_dim3A_103 = vector.broadcast %jit3A_101 : f32 to vector<16xf32>
      %broadcast_in_dim3A_104 = vector.broadcast %jit3A_102 : f32 to vector<16xf32>
      %select_n3A_105 = arith.select %eq3A_100, %broadcast_in_dim3A_103, %broadcast_in_dim3A_104 : vector<16xi1>, vector<16xf32>
      %get3A_106 = arith.constant 0 : i32
      %get3A_107 = arith.index_cast %get3A_106 : i32 to index
      %get3A_108 = arith.constant 0 : index
      %get3A_109 = tpu.vector_load %arg8[%get3A_107, %get3A_108] {strides = array<i32>} : memref<6x32xf32, #tpu.memory_space<vmem>>, vector<1x16xf32>,
      %get3A_110 = vector.shape_cast %get3A_109 : vector<1x16xf32> to vector<16xf32>
      %mul3A = arith.mulf %get3A_110, %select_n3A_49 : vector<16xf32>
      %get3A_111 = arith.constant 0 : i32
      %get3A_112 = arith.index_cast %get3A_111 : i32 to index
      %get3A_113 = arith.constant 16 : index
      %get3A_114 = tpu.vector_load %arg8[%get3A_112, %get3A_113] {strides = array<i32>} : memref<6x32xf32, #tpu.memory_space<vmem>>, vector<1x16xf32>,
      %get3A_115 = vector.shape_cast %get3A_114 : vector<1x16xf32> to vector<16xf32>
      %mul3A_116 = arith.mulf %get3A_115, %select_n3A_57 : vector<16xf32>
      %add3A = arith.addf %mul3A, %mul3A_116 : vector<16xf32>
      %get3A_117 = arith.constant 0 : i32
      %get3A_118 = arith.index_cast %get3A_117 : i32 to index
      %get3A_119 = arith.constant 0 : index
      %get3A_120 = tpu.vector_load %arg7[%get3A_118, %get3A_119] {strides = array<i32>} : memref<6x128xf32, #tpu.memory_space<vmem>>, vector<1x16xf32>,
      %get3A_121 = vector.shape_cast %get3A_120 : vector<1x16xf32> to vector<16xf32>
      %mul3A_122 = arith.mulf %get3A_121, %select_n3A_49 : vector<16xf32>
      %get3A_123 = arith.constant 0 : i32
      %get3A_124 = arith.index_cast %get3A_123 : i32 to index
      %get3A_125 = arith.constant 16 : index
      %get3A_126 = tpu.vector_load %arg7[%get3A_124, %get3A_125] {strides = array<i32>} : memref<6x128xf32, #tpu.memory_space<vmem>>, vector<1x16xf32>,
      %get3A_127 = vector.shape_cast %get3A_126 : vector<1x16xf32> to vector<16xf32>
      %mul3A_128 = arith.mulf %get3A_127, %select_n3A_57 : vector<16xf32>
      %add3A_129 = arith.addf %mul3A_122, %mul3A_128 : vector<16xf32>
      %get3A_130 = arith.constant 0 : i32
      %get3A_131 = arith.index_cast %get3A_130 : i32 to index
      %get3A_132 = arith.constant 32 : index
      %get3A_133 = tpu.vector_load %arg7[%get3A_131, %get3A_132] {strides = array<i32>} : memref<6x128xf32, #tpu.memory_space<vmem>>, vector<1x16xf32>,
      %get3A_134 = vector.shape_cast %get3A_133 : vector<1x16xf32> to vector<16xf32>
      %mul3A_135 = arith.mulf %get3A_134, %select_n3A_65 : vector<16xf32>
      %add3A_136 = arith.addf %add3A_129, %mul3A_135 : vector<16xf32>
      %get3A_137 = arith.constant 0 : i32
      %get3A_138 = arith.index_cast %get3A_137 : i32 to index
      %get3A_139 = arith.constant 48 : index
      %get3A_140 = tpu.vector_load %arg7[%get3A_138, %get3A_139] {strides = array<i32>} : memref<6x128xf32, #tpu.memory_space<vmem>>, vector<1x16xf32>,
      %get3A_141 = vector.shape_cast %get3A_140 : vector<1x16xf32> to vector<16xf32>
      %mul3A_142 = arith.mulf %get3A_141, %select_n3A_73 : vector<16xf32>
      %add3A_143 = arith.addf %add3A_136, %mul3A_142 : vector<16xf32>
      %get3A_144 = arith.constant 0 : i32
      %get3A_145 = arith.index_cast %get3A_144 : i32 to index
      %get3A_146 = arith.constant 64 : index
      %get3A_147 = tpu.vector_load %arg7[%get3A_145, %get3A_146] {strides = array<i32>} : memref<6x128xf32, #tpu.memory_space<vmem>>, vector<1x16xf32>,
      %get3A_148 = vector.shape_cast %get3A_147 : vector<1x16xf32> to vector<16xf32>
      %mul3A_149 = arith.mulf %get3A_148, %select_n3A_81 : vector<16xf32>
      %add3A_150 = arith.addf %add3A_143, %mul3A_149 : vector<16xf32>
      %get3A_151 = arith.constant 0 : i32
      %get3A_152 = arith.index_cast %get3A_151 : i32 to index
      %get3A_153 = arith.constant 80 : index
      %get3A_154 = tpu.vector_load %arg7[%get3A_152, %get3A_153] {strides = array<i32>} : memref<6x128xf32, #tpu.memory_space<vmem>>, vector<1x16xf32>,
      %get3A_155 = vector.shape_cast %get3A_154 : vector<1x16xf32> to vector<16xf32>
      %mul3A_156 = arith.mulf %get3A_155, %select_n3A_89 : vector<16xf32>
      %add3A_157 = arith.addf %add3A_150, %mul3A_156 : vector<16xf32>
      %get3A_158 = arith.constant 0 : i32
      %get3A_159 = arith.index_cast %get3A_158 : i32 to index
      %get3A_160 = arith.constant 96 : index
      %get3A_161 = tpu.vector_load %arg7[%get3A_159, %get3A_160] {strides = array<i32>} : memref<6x128xf32, #tpu.memory_space<vmem>>, vector<1x16xf32>,
      %get3A_162 = vector.shape_cast %get3A_161 : vector<1x16xf32> to vector<16xf32>
      %mul3A_163 = arith.mulf %get3A_162, %select_n3A_97 : vector<16xf32>
      %add3A_164 = arith.addf %add3A_157, %mul3A_163 : vector<16xf32>
      %get3A_165 = arith.constant 0 : i32
      %get3A_166 = arith.index_cast %get3A_165 : i32 to index
      %get3A_167 = arith.constant 112 : index
      %get3A_168 = tpu.vector_load %arg7[%get3A_166, %get3A_167] {strides = array<i32>} : memref<6x128xf32, #tpu.memory_space<vmem>>, vector<1x16xf32>,
      %get3A_169 = vector.shape_cast %get3A_168 : vector<1x16xf32> to vector<16xf32>
      %mul3A_170 = arith.mulf %get3A_169, %select_n3A_105 : vector<16xf32>
      %add3A_171 = arith.addf %add3A_164, %mul3A_170 : vector<16xf32>
      %select_n3A_172 = arith.select %ge3A_34, %add3A, %add3A_171 : vector<16xi1>, vector<16xf32>
      %broadcast_in_dim3A_173 = vector.shape_cast %and3A_43 : vector<16xi32> to vector<16x1xi32>
      %gather3A = vector.shape_cast %broadcast_in_dim3A_173 : vector<16x1xi32> to vector<16xi32>
      %gather3A_174 = tpu.dynamic_gather %select_n3A_172[%gather3A] in [0] : vector<16xf32>, vector<16xi32> -> vector<16xf32>
      %eq3A_175 = arith.constant 1 : i32
      %eq3A_176 = vector.broadcast %eq3A_175 : i32 to vector<16xi32>
      %eq3A_177 = arith.cmpi eq, %iota3A, %eq3A_176 : vector<16xi32>
      %get3A_178 = arith.constant 1 : i32
      %get3A_179 = arith.index_cast %get3A_178 : i32 to index
      %get3A_180 = arith.constant 0 : index
      %get3A_181 = tpu.vector_load %arg8[%get3A_179, %get3A_180] {strides = array<i32>} : memref<6x32xf32, #tpu.memory_space<vmem>>, vector<1x16xf32>,
      %get3A_182 = vector.shape_cast %get3A_181 : vector<1x16xf32> to vector<16xf32>
      %mul3A_183 = arith.mulf %get3A_182, %select_n3A_49 : vector<16xf32>
      %get3A_184 = arith.constant 1 : i32
      %get3A_185 = arith.index_cast %get3A_184 : i32 to index
      %get3A_186 = arith.constant 16 : index
      %get3A_187 = tpu.vector_load %arg8[%get3A_185, %get3A_186] {strides = array<i32>} : memref<6x32xf32, #tpu.memory_space<vmem>>, vector<1x16xf32>,
      %get3A_188 = vector.shape_cast %get3A_187 : vector<1x16xf32> to vector<16xf32>
      %mul3A_189 = arith.mulf %get3A_188, %select_n3A_57 : vector<16xf32>
      %add3A_190 = arith.addf %mul3A_183, %mul3A_189 : vector<16xf32>
      %get3A_191 = arith.constant 1 : i32
      %get3A_192 = arith.index_cast %get3A_191 : i32 to index
      %get3A_193 = arith.constant 0 : index
      %get3A_194 = tpu.vector_load %arg7[%get3A_192, %get3A_193] {strides = array<i32>} : memref<6x128xf32, #tpu.memory_space<vmem>>, vector<1x16xf32>,
      %get3A_195 = vector.shape_cast %get3A_194 : vector<1x16xf32> to vector<16xf32>
      %mul3A_196 = arith.mulf %get3A_195, %select_n3A_49 : vector<16xf32>
      %get3A_197 = arith.constant 1 : i32
      %get3A_198 = arith.index_cast %get3A_197 : i32 to index
      %get3A_199 = arith.constant 16 : index
      %get3A_200 = tpu.vector_load %arg7[%get3A_198, %get3A_199] {strides = array<i32>} : memref<6x128xf32, #tpu.memory_space<vmem>>, vector<1x16xf32>,
      %get3A_201 = vector.shape_cast %get3A_200 : vector<1x16xf32> to vector<16xf32>
      %mul3A_202 = arith.mulf %get3A_201, %select_n3A_57 : vector<16xf32>
      %add3A_203 = arith.addf %mul3A_196, %mul3A_202 : vector<16xf32>
      %get3A_204 = arith.constant 1 : i32
      %get3A_205 = arith.index_cast %get3A_204 : i32 to index
      %get3A_206 = arith.constant 32 : index
      %get3A_207 = tpu.vector_load %arg7[%get3A_205, %get3A_206] {strides = array<i32>} : memref<6x128xf32, #tpu.memory_space<vmem>>, vector<1x16xf32>,
      %get3A_208 = vector.shape_cast %get3A_207 : vector<1x16xf32> to vector<16xf32>
      %mul3A_209 = arith.mulf %get3A_208, %select_n3A_65 : vector<16xf32>
      %add3A_210 = arith.addf %add3A_203, %mul3A_209 : vector<16xf32>
      %get3A_211 = arith.constant 1 : i32
      %get3A_212 = arith.index_cast %get3A_211 : i32 to index
      %get3A_213 = arith.constant 48 : index
      %get3A_214 = tpu.vector_load %arg7[%get3A_212, %get3A_213] {strides = array<i32>} : memref<6x128xf32, #tpu.memory_space<vmem>>, vector<1x16xf32>,
      %get3A_215 = vector.shape_cast %get3A_214 : vector<1x16xf32> to vector<16xf32>
      %mul3A_216 = arith.mulf %get3A_215, %select_n3A_73 : vector<16xf32>
      %add3A_217 = arith.addf %add3A_210, %mul3A_216 : vector<16xf32>
      %get3A_218 = arith.constant 1 : i32
      %get3A_219 = arith.index_cast %get3A_218 : i32 to index
      %get3A_220 = arith.constant 64 : index
      %get3A_221 = tpu.vector_load %arg7[%get3A_219, %get3A_220] {strides = array<i32>} : memref<6x128xf32, #tpu.memory_space<vmem>>, vector<1x16xf32>,
      %get3A_222 = vector.shape_cast %get3A_221 : vector<1x16xf32> to vector<16xf32>
      %mul3A_223 = arith.mulf %get3A_222, %select_n3A_81 : vector<16xf32>
      %add3A_224 = arith.addf %add3A_217, %mul3A_223 : vector<16xf32>
      %get3A_225 = arith.constant 1 : i32
      %get3A_226 = arith.index_cast %get3A_225 : i32 to index
      %get3A_227 = arith.constant 80 : index
      %get3A_228 = tpu.vector_load %arg7[%get3A_226, %get3A_227] {strides = array<i32>} : memref<6x128xf32, #tpu.memory_space<vmem>>, vector<1x16xf32>,
      %get3A_229 = vector.shape_cast %get3A_228 : vector<1x16xf32> to vector<16xf32>
      %mul3A_230 = arith.mulf %get3A_229, %select_n3A_89 : vector<16xf32>
      %add3A_231 = arith.addf %add3A_224, %mul3A_230 : vector<16xf32>
      %get3A_232 = arith.constant 1 : i32
      %get3A_233 = arith.index_cast %get3A_232 : i32 to index
      %get3A_234 = arith.constant 96 : index
      %get3A_235 = tpu.vector_load %arg7[%get3A_233, %get3A_234] {strides = array<i32>} : memref<6x128xf32, #tpu.memory_space<vmem>>, vector<1x16xf32>,
      %get3A_236 = vector.shape_cast %get3A_235 : vector<1x16xf32> to vector<16xf32>
      %mul3A_237 = arith.mulf %get3A_236, %select_n3A_97 : vector<16xf32>
      %add3A_238 = arith.addf %add3A_231, %mul3A_237 : vector<16xf32>
      %get3A_239 = arith.constant 1 : i32
      %get3A_240 = arith.index_cast %get3A_239 : i32 to index
      %get3A_241 = arith.constant 112 : index
      %get3A_242 = tpu.vector_load %arg7[%get3A_240, %get3A_241] {strides = array<i32>} : memref<6x128xf32, #tpu.memory_space<vmem>>, vector<1x16xf32>,
      %get3A_243 = vector.shape_cast %get3A_242 : vector<1x16xf32> to vector<16xf32>
      %mul3A_244 = arith.mulf %get3A_243, %select_n3A_105 : vector<16xf32>
      %add3A_245 = arith.addf %add3A_238, %mul3A_244 : vector<16xf32>
      %select_n3A_246 = arith.select %ge3A_34, %add3A_190, %add3A_245 : vector<16xi1>, vector<16xf32>
      %broadcast_in_dim3A_247 = vector.shape_cast %and3A_43 : vector<16xi32> to vector<16x1xi32>
      %gather3A_248 = vector.shape_cast %broadcast_in_dim3A_247 : vector<16x1xi32> to vector<16xi32>
      %gather3A_249 = tpu.dynamic_gather %select_n3A_246[%gather3A_248] in [0] : vector<16xf32>, vector<16xi32> -> vector<16xf32>
      %select_n3A_250 = arith.select %eq3A_177, %gather3A_249, %gather3A_174 : vector<16xi1>, vector<16xf32>
      %eq3A_251 = arith.constant 2 : i32
      %eq3A_252 = vector.broadcast %eq3A_251 : i32 to vector<16xi32>
      %eq3A_253 = arith.cmpi eq, %iota3A, %eq3A_252 : vector<16xi32>
      %get3A_254 = arith.constant 2 : i32
      %get3A_255 = arith.index_cast %get3A_254 : i32 to index
      %get3A_256 = arith.constant 0 : index
      %get3A_257 = tpu.vector_load %arg8[%get3A_255, %get3A_256] {strides = array<i32>} : memref<6x32xf32, #tpu.memory_space<vmem>>, vector<1x16xf32>,
      %get3A_258 = vector.shape_cast %get3A_257 : vector<1x16xf32> to vector<16xf32>
      %mul3A_259 = arith.mulf %get3A_258, %select_n3A_49 : vector<16xf32>
      %get3A_260 = arith.constant 2 : i32
      %get3A_261 = arith.index_cast %get3A_260 : i32 to index
      %get3A_262 = arith.constant 16 : index
      %get3A_263 = tpu.vector_load %arg8[%get3A_261, %get3A_262] {strides = array<i32>} : memref<6x32xf32, #tpu.memory_space<vmem>>, vector<1x16xf32>,
      %get3A_264 = vector.shape_cast %get3A_263 : vector<1x16xf32> to vector<16xf32>
      %mul3A_265 = arith.mulf %get3A_264, %select_n3A_57 : vector<16xf32>
      %add3A_266 = arith.addf %mul3A_259, %mul3A_265 : vector<16xf32>
      %get3A_267 = arith.constant 2 : i32
      %get3A_268 = arith.index_cast %get3A_267 : i32 to index
      %get3A_269 = arith.constant 0 : index
      %get3A_270 = tpu.vector_load %arg7[%get3A_268, %get3A_269] {strides = array<i32>} : memref<6x128xf32, #tpu.memory_space<vmem>>, vector<1x16xf32>,
      %get3A_271 = vector.shape_cast %get3A_270 : vector<1x16xf32> to vector<16xf32>
      %mul3A_272 = arith.mulf %get3A_271, %select_n3A_49 : vector<16xf32>
      %get3A_273 = arith.constant 2 : i32
      %get3A_274 = arith.index_cast %get3A_273 : i32 to index
      %get3A_275 = arith.constant 16 : index
      %get3A_276 = tpu.vector_load %arg7[%get3A_274, %get3A_275] {strides = array<i32>} : memref<6x128xf32, #tpu.memory_space<vmem>>, vector<1x16xf32>,
      %get3A_277 = vector.shape_cast %get3A_276 : vector<1x16xf32> to vector<16xf32>
      %mul3A_278 = arith.mulf %get3A_277, %select_n3A_57 : vector<16xf32>
      %add3A_279 = arith.addf %mul3A_272, %mul3A_278 : vector<16xf32>
      %get3A_280 = arith.constant 2 : i32
      %get3A_281 = arith.index_cast %get3A_280 : i32 to index
      %get3A_282 = arith.constant 32 : index
      %get3A_283 = tpu.vector_load %arg7[%get3A_281, %get3A_282] {strides = array<i32>} : memref<6x128xf32, #tpu.memory_space<vmem>>, vector<1x16xf32>,
      %get3A_284 = vector.shape_cast %get3A_283 : vector<1x16xf32> to vector<16xf32>
      %mul3A_285 = arith.mulf %get3A_284, %select_n3A_65 : vector<16xf32>
      %add3A_286 = arith.addf %add3A_279, %mul3A_285 : vector<16xf32>
      %get3A_287 = arith.constant 2 : i32
      %get3A_288 = arith.index_cast %get3A_287 : i32 to index
      %get3A_289 = arith.constant 48 : index
      %get3A_290 = tpu.vector_load %arg7[%get3A_288, %get3A_289] {strides = array<i32>} : memref<6x128xf32, #tpu.memory_space<vmem>>, vector<1x16xf32>,
      %get3A_291 = vector.shape_cast %get3A_290 : vector<1x16xf32> to vector<16xf32>
      %mul3A_292 = arith.mulf %get3A_291, %select_n3A_73 : vector<16xf32>
      %add3A_293 = arith.addf %add3A_286, %mul3A_292 : vector<16xf32>
      %get3A_294 = arith.constant 2 : i32
      %get3A_295 = arith.index_cast %get3A_294 : i32 to index
      %get3A_296 = arith.constant 64 : index
      %get3A_297 = tpu.vector_load %arg7[%get3A_295, %get3A_296] {strides = array<i32>} : memref<6x128xf32, #tpu.memory_space<vmem>>, vector<1x16xf32>,
      %get3A_298 = vector.shape_cast %get3A_297 : vector<1x16xf32> to vector<16xf32>
      %mul3A_299 = arith.mulf %get3A_298, %select_n3A_81 : vector<16xf32>
      %add3A_300 = arith.addf %add3A_293, %mul3A_299 : vector<16xf32>
      %get3A_301 = arith.constant 2 : i32
      %get3A_302 = arith.index_cast %get3A_301 : i32 to index
      %get3A_303 = arith.constant 80 : index
      %get3A_304 = tpu.vector_load %arg7[%get3A_302, %get3A_303] {strides = array<i32>} : memref<6x128xf32, #tpu.memory_space<vmem>>, vector<1x16xf32>,
      %get3A_305 = vector.shape_cast %get3A_304 : vector<1x16xf32> to vector<16xf32>
      %mul3A_306 = arith.mulf %get3A_305, %select_n3A_89 : vector<16xf32>
      %add3A_307 = arith.addf %add3A_300, %mul3A_306 : vector<16xf32>
      %get3A_308 = arith.constant 2 : i32
      %get3A_309 = arith.index_cast %get3A_308 : i32 to index
      %get3A_310 = arith.constant 96 : index
      %get3A_311 = tpu.vector_load %arg7[%get3A_309, %get3A_310] {strides = array<i32>} : memref<6x128xf32, #tpu.memory_space<vmem>>, vector<1x16xf32>,
      %get3A_312 = vector.shape_cast %get3A_311 : vector<1x16xf32> to vector<16xf32>
      %mul3A_313 = arith.mulf %get3A_312, %select_n3A_97 : vector<16xf32>
      %add3A_314 = arith.addf %add3A_307, %mul3A_313 : vector<16xf32>
      %get3A_315 = arith.constant 2 : i32
      %get3A_316 = arith.index_cast %get3A_315 : i32 to index
      %get3A_317 = arith.constant 112 : index
      %get3A_318 = tpu.vector_load %arg7[%get3A_316, %get3A_317] {strides = array<i32>} : memref<6x128xf32, #tpu.memory_space<vmem>>, vector<1x16xf32>,
      %get3A_319 = vector.shape_cast %get3A_318 : vector<1x16xf32> to vector<16xf32>
      %mul3A_320 = arith.mulf %get3A_319, %select_n3A_105 : vector<16xf32>
      %add3A_321 = arith.addf %add3A_314, %mul3A_320 : vector<16xf32>
      %select_n3A_322 = arith.select %ge3A_34, %add3A_266, %add3A_321 : vector<16xi1>, vector<16xf32>
      %broadcast_in_dim3A_323 = vector.shape_cast %and3A_43 : vector<16xi32> to vector<16x1xi32>
      %gather3A_324 = vector.shape_cast %broadcast_in_dim3A_323 : vector<16x1xi32> to vector<16xi32>
      %gather3A_325 = tpu.dynamic_gather %select_n3A_322[%gather3A_324] in [0] : vector<16xf32>, vector<16xi32> -> vector<16xf32>
      %select_n3A_326 = arith.select %eq3A_253, %gather3A_325, %select_n3A_250 : vector<16xi1>, vector<16xf32>
      %eq3A_327 = arith.constant 3 : i32
      %eq3A_328 = vector.broadcast %eq3A_327 : i32 to vector<16xi32>
      %eq3A_329 = arith.cmpi eq, %iota3A, %eq3A_328 : vector<16xi32>
      %get3A_330 = arith.constant 3 : i32
      %get3A_331 = arith.index_cast %get3A_330 : i32 to index
      %get3A_332 = arith.constant 0 : index
      %get3A_333 = tpu.vector_load %arg8[%get3A_331, %get3A_332] {strides = array<i32>} : memref<6x32xf32, #tpu.memory_space<vmem>>, vector<1x16xf32>,
      %get3A_334 = vector.shape_cast %get3A_333 : vector<1x16xf32> to vector<16xf32>
      %mul3A_335 = arith.mulf %get3A_334, %select_n3A_49 : vector<16xf32>
      %get3A_336 = arith.constant 3 : i32
      %get3A_337 = arith.index_cast %get3A_336 : i32 to index
      %get3A_338 = arith.constant 16 : index
      %get3A_339 = tpu.vector_load %arg8[%get3A_337, %get3A_338] {strides = array<i32>} : memref<6x32xf32, #tpu.memory_space<vmem>>, vector<1x16xf32>,
      %get3A_340 = vector.shape_cast %get3A_339 : vector<1x16xf32> to vector<16xf32>
      %mul3A_341 = arith.mulf %get3A_340, %select_n3A_57 : vector<16xf32>
      %add3A_342 = arith.addf %mul3A_335, %mul3A_341 : vector<16xf32>
      %get3A_343 = arith.constant 3 : i32
      %get3A_344 = arith.index_cast %get3A_343 : i32 to index
      %get3A_345 = arith.constant 0 : index
      %get3A_346 = tpu.vector_load %arg7[%get3A_344, %get3A_345] {strides = array<i32>} : memref<6x128xf32, #tpu.memory_space<vmem>>, vector<1x16xf32>,
      %get3A_347 = vector.shape_cast %get3A_346 : vector<1x16xf32> to vector<16xf32>
      %mul3A_348 = arith.mulf %get3A_347, %select_n3A_49 : vector<16xf32>
      %get3A_349 = arith.constant 3 : i32
      %get3A_350 = arith.index_cast %get3A_349 : i32 to index
      %get3A_351 = arith.constant 16 : index
      %get3A_352 = tpu.vector_load %arg7[%get3A_350, %get3A_351] {strides = array<i32>} : memref<6x128xf32, #tpu.memory_space<vmem>>, vector<1x16xf32>,
      %get3A_353 = vector.shape_cast %get3A_352 : vector<1x16xf32> to vector<16xf32>
      %mul3A_354 = arith.mulf %get3A_353, %select_n3A_57 : vector<16xf32>
      %add3A_355 = arith.addf %mul3A_348, %mul3A_354 : vector<16xf32>
      %get3A_356 = arith.constant 3 : i32
      %get3A_357 = arith.index_cast %get3A_356 : i32 to index
      %get3A_358 = arith.constant 32 : index
      %get3A_359 = tpu.vector_load %arg7[%get3A_357, %get3A_358] {strides = array<i32>} : memref<6x128xf32, #tpu.memory_space<vmem>>, vector<1x16xf32>,
      %get3A_360 = vector.shape_cast %get3A_359 : vector<1x16xf32> to vector<16xf32>
      %mul3A_361 = arith.mulf %get3A_360, %select_n3A_65 : vector<16xf32>
      %add3A_362 = arith.addf %add3A_355, %mul3A_361 : vector<16xf32>
      %get3A_363 = arith.constant 3 : i32
      %get3A_364 = arith.index_cast %get3A_363 : i32 to index
      %get3A_365 = arith.constant 48 : index
      %get3A_366 = tpu.vector_load %arg7[%get3A_364, %get3A_365] {strides = array<i32>} : memref<6x128xf32, #tpu.memory_space<vmem>>, vector<1x16xf32>,
      %get3A_367 = vector.shape_cast %get3A_366 : vector<1x16xf32> to vector<16xf32>
      %mul3A_368 = arith.mulf %get3A_367, %select_n3A_73 : vector<16xf32>
      %add3A_369 = arith.addf %add3A_362, %mul3A_368 : vector<16xf32>
      %get3A_370 = arith.constant 3 : i32
      %get3A_371 = arith.index_cast %get3A_370 : i32 to index
      %get3A_372 = arith.constant 64 : index
      %get3A_373 = tpu.vector_load %arg7[%get3A_371, %get3A_372] {strides = array<i32>} : memref<6x128xf32, #tpu.memory_space<vmem>>, vector<1x16xf32>,
      %get3A_374 = vector.shape_cast %get3A_373 : vector<1x16xf32> to vector<16xf32>
      %mul3A_375 = arith.mulf %get3A_374, %select_n3A_81 : vector<16xf32>
      %add3A_376 = arith.addf %add3A_369, %mul3A_375 : vector<16xf32>
      %get3A_377 = arith.constant 3 : i32
      %get3A_378 = arith.index_cast %get3A_377 : i32 to index
      %get3A_379 = arith.constant 80 : index
      %get3A_380 = tpu.vector_load %arg7[%get3A_378, %get3A_379] {strides = array<i32>} : memref<6x128xf32, #tpu.memory_space<vmem>>, vector<1x16xf32>,
      %get3A_381 = vector.shape_cast %get3A_380 : vector<1x16xf32> to vector<16xf32>
      %mul3A_382 = arith.mulf %get3A_381, %select_n3A_89 : vector<16xf32>
      %add3A_383 = arith.addf %add3A_376, %mul3A_382 : vector<16xf32>
      %get3A_384 = arith.constant 3 : i32
      %get3A_385 = arith.index_cast %get3A_384 : i32 to index
      %get3A_386 = arith.constant 96 : index
      %get3A_387 = tpu.vector_load %arg7[%get3A_385, %get3A_386] {strides = array<i32>} : memref<6x128xf32, #tpu.memory_space<vmem>>, vector<1x16xf32>,
      %get3A_388 = vector.shape_cast %get3A_387 : vector<1x16xf32> to vector<16xf32>
      %mul3A_389 = arith.mulf %get3A_388, %select_n3A_97 : vector<16xf32>
      %add3A_390 = arith.addf %add3A_383, %mul3A_389 : vector<16xf32>
      %get3A_391 = arith.constant 3 : i32
      %get3A_392 = arith.index_cast %get3A_391 : i32 to index
      %get3A_393 = arith.constant 112 : index
      %get3A_394 = tpu.vector_load %arg7[%get3A_392, %get3A_393] {strides = array<i32>} : memref<6x128xf32, #tpu.memory_space<vmem>>, vector<1x16xf32>,
      %get3A_395 = vector.shape_cast %get3A_394 : vector<1x16xf32> to vector<16xf32>
      %mul3A_396 = arith.mulf %get3A_395, %select_n3A_105 : vector<16xf32>
      %add3A_397 = arith.addf %add3A_390, %mul3A_396 : vector<16xf32>
      %select_n3A_398 = arith.select %ge3A_34, %add3A_342, %add3A_397 : vector<16xi1>, vector<16xf32>
      %broadcast_in_dim3A_399 = vector.shape_cast %and3A_43 : vector<16xi32> to vector<16x1xi32>
      %gather3A_400 = vector.shape_cast %broadcast_in_dim3A_399 : vector<16x1xi32> to vector<16xi32>
      %gather3A_401 = tpu.dynamic_gather %select_n3A_398[%gather3A_400] in [0] : vector<16xf32>, vector<16xi32> -> vector<16xf32>
      %select_n3A_402 = arith.select %eq3A_329, %gather3A_401, %select_n3A_326 : vector<16xi1>, vector<16xf32>
      %eq3A_403 = arith.constant 4 : i32
      %eq3A_404 = vector.broadcast %eq3A_403 : i32 to vector<16xi32>
      %eq3A_405 = arith.cmpi eq, %iota3A, %eq3A_404 : vector<16xi32>
      %get3A_406 = arith.constant 4 : i32
      %get3A_407 = arith.index_cast %get3A_406 : i32 to index
      %get3A_408 = arith.constant 0 : index
      %get3A_409 = tpu.vector_load %arg8[%get3A_407, %get3A_408] {strides = array<i32>} : memref<6x32xf32, #tpu.memory_space<vmem>>, vector<1x16xf32>,
      %get3A_410 = vector.shape_cast %get3A_409 : vector<1x16xf32> to vector<16xf32>
      %mul3A_411 = arith.mulf %get3A_410, %select_n3A_49 : vector<16xf32>
      %get3A_412 = arith.constant 4 : i32
      %get3A_413 = arith.index_cast %get3A_412 : i32 to index
      %get3A_414 = arith.constant 16 : index
      %get3A_415 = tpu.vector_load %arg8[%get3A_413, %get3A_414] {strides = array<i32>} : memref<6x32xf32, #tpu.memory_space<vmem>>, vector<1x16xf32>,
      %get3A_416 = vector.shape_cast %get3A_415 : vector<1x16xf32> to vector<16xf32>
      %mul3A_417 = arith.mulf %get3A_416, %select_n3A_57 : vector<16xf32>
      %add3A_418 = arith.addf %mul3A_411, %mul3A_417 : vector<16xf32>
      %get3A_419 = arith.constant 4 : i32
      %get3A_420 = arith.index_cast %get3A_419 : i32 to index
      %get3A_421 = arith.constant 0 : index
      %get3A_422 = tpu.vector_load %arg7[%get3A_420, %get3A_421] {strides = array<i32>} : memref<6x128xf32, #tpu.memory_space<vmem>>, vector<1x16xf32>,
      %get3A_423 = vector.shape_cast %get3A_422 : vector<1x16xf32> to vector<16xf32>
      %mul3A_424 = arith.mulf %get3A_423, %select_n3A_49 : vector<16xf32>
      %get3A_425 = arith.constant 4 : i32
      %get3A_426 = arith.index_cast %get3A_425 : i32 to index
      %get3A_427 = arith.constant 16 : index
      %get3A_428 = tpu.vector_load %arg7[%get3A_426, %get3A_427] {strides = array<i32>} : memref<6x128xf32, #tpu.memory_space<vmem>>, vector<1x16xf32>,
      %get3A_429 = vector.shape_cast %get3A_428 : vector<1x16xf32> to vector<16xf32>
      %mul3A_430 = arith.mulf %get3A_429, %select_n3A_57 : vector<16xf32>
      %add3A_431 = arith.addf %mul3A_424, %mul3A_430 : vector<16xf32>
      %get3A_432 = arith.constant 4 : i32
      %get3A_433 = arith.index_cast %get3A_432 : i32 to index
      %get3A_434 = arith.constant 32 : index
      %get3A_435 = tpu.vector_load %arg7[%get3A_433, %get3A_434] {strides = array<i32>} : memref<6x128xf32, #tpu.memory_space<vmem>>, vector<1x16xf32>,
      %get3A_436 = vector.shape_cast %get3A_435 : vector<1x16xf32> to vector<16xf32>
      %mul3A_437 = arith.mulf %get3A_436, %select_n3A_65 : vector<16xf32>
      %add3A_438 = arith.addf %add3A_431, %mul3A_437 : vector<16xf32>
      %get3A_439 = arith.constant 4 : i32
      %get3A_440 = arith.index_cast %get3A_439 : i32 to index
      %get3A_441 = arith.constant 48 : index
      %get3A_442 = tpu.vector_load %arg7[%get3A_440, %get3A_441] {strides = array<i32>} : memref<6x128xf32, #tpu.memory_space<vmem>>, vector<1x16xf32>,
      %get3A_443 = vector.shape_cast %get3A_442 : vector<1x16xf32> to vector<16xf32>
      %mul3A_444 = arith.mulf %get3A_443, %select_n3A_73 : vector<16xf32>
      %add3A_445 = arith.addf %add3A_438, %mul3A_444 : vector<16xf32>
      %get3A_446 = arith.constant 4 : i32
      %get3A_447 = arith.index_cast %get3A_446 : i32 to index
      %get3A_448 = arith.constant 64 : index
      %get3A_449 = tpu.vector_load %arg7[%get3A_447, %get3A_448] {strides = array<i32>} : memref<6x128xf32, #tpu.memory_space<vmem>>, vector<1x16xf32>,
      %get3A_450 = vector.shape_cast %get3A_449 : vector<1x16xf32> to vector<16xf32>
      %mul3A_451 = arith.mulf %get3A_450, %select_n3A_81 : vector<16xf32>
      %add3A_452 = arith.addf %add3A_445, %mul3A_451 : vector<16xf32>
      %get3A_453 = arith.constant 4 : i32
      %get3A_454 = arith.index_cast %get3A_453 : i32 to index
      %get3A_455 = arith.constant 80 : index
      %get3A_456 = tpu.vector_load %arg7[%get3A_454, %get3A_455] {strides = array<i32>} : memref<6x128xf32, #tpu.memory_space<vmem>>, vector<1x16xf32>,
      %get3A_457 = vector.shape_cast %get3A_456 : vector<1x16xf32> to vector<16xf32>
      %mul3A_458 = arith.mulf %get3A_457, %select_n3A_89 : vector<16xf32>
      %add3A_459 = arith.addf %add3A_452, %mul3A_458 : vector<16xf32>
      %get3A_460 = arith.constant 4 : i32
      %get3A_461 = arith.index_cast %get3A_460 : i32 to index
      %get3A_462 = arith.constant 96 : index
      %get3A_463 = tpu.vector_load %arg7[%get3A_461, %get3A_462] {strides = array<i32>} : memref<6x128xf32, #tpu.memory_space<vmem>>, vector<1x16xf32>,
      %get3A_464 = vector.shape_cast %get3A_463 : vector<1x16xf32> to vector<16xf32>
      %mul3A_465 = arith.mulf %get3A_464, %select_n3A_97 : vector<16xf32>
      %add3A_466 = arith.addf %add3A_459, %mul3A_465 : vector<16xf32>
      %get3A_467 = arith.constant 4 : i32
      %get3A_468 = arith.index_cast %get3A_467 : i32 to index
      %get3A_469 = arith.constant 112 : index
      %get3A_470 = tpu.vector_load %arg7[%get3A_468, %get3A_469] {strides = array<i32>} : memref<6x128xf32, #tpu.memory_space<vmem>>, vector<1x16xf32>,
      %get3A_471 = vector.shape_cast %get3A_470 : vector<1x16xf32> to vector<16xf32>
      %mul3A_472 = arith.mulf %get3A_471, %select_n3A_105 : vector<16xf32>
      %add3A_473 = arith.addf %add3A_466, %mul3A_472 : vector<16xf32>
      %select_n3A_474 = arith.select %ge3A_34, %add3A_418, %add3A_473 : vector<16xi1>, vector<16xf32>
      %broadcast_in_dim3A_475 = vector.shape_cast %and3A_43 : vector<16xi32> to vector<16x1xi32>
      %gather3A_476 = vector.shape_cast %broadcast_in_dim3A_475 : vector<16x1xi32> to vector<16xi32>
      %gather3A_477 = tpu.dynamic_gather %select_n3A_474[%gather3A_476] in [0] : vector<16xf32>, vector<16xi32> -> vector<16xf32>
      %select_n3A_478 = arith.select %eq3A_405, %gather3A_477, %select_n3A_402 : vector<16xi1>, vector<16xf32>
      %eq3A_479 = arith.constant 5 : i32
      %eq3A_480 = vector.broadcast %eq3A_479 : i32 to vector<16xi32>
      %eq3A_481 = arith.cmpi eq, %iota3A, %eq3A_480 : vector<16xi32>
      %get3A_482 = arith.constant 5 : i32
      %get3A_483 = arith.index_cast %get3A_482 : i32 to index
      %get3A_484 = arith.constant 0 : index
      %get3A_485 = tpu.vector_load %arg8[%get3A_483, %get3A_484] {strides = array<i32>} : memref<6x32xf32, #tpu.memory_space<vmem>>, vector<1x16xf32>,
      %get3A_486 = vector.shape_cast %get3A_485 : vector<1x16xf32> to vector<16xf32>
      %mul3A_487 = arith.mulf %get3A_486, %select_n3A_49 : vector<16xf32>
      %get3A_488 = arith.constant 5 : i32
      %get3A_489 = arith.index_cast %get3A_488 : i32 to index
      %get3A_490 = arith.constant 16 : index
      %get3A_491 = tpu.vector_load %arg8[%get3A_489, %get3A_490] {strides = array<i32>} : memref<6x32xf32, #tpu.memory_space<vmem>>, vector<1x16xf32>,
      %get3A_492 = vector.shape_cast %get3A_491 : vector<1x16xf32> to vector<16xf32>
      %mul3A_493 = arith.mulf %get3A_492, %select_n3A_57 : vector<16xf32>
      %add3A_494 = arith.addf %mul3A_487, %mul3A_493 : vector<16xf32>
      %get3A_495 = arith.constant 5 : i32
      %get3A_496 = arith.index_cast %get3A_495 : i32 to index
      %get3A_497 = arith.constant 0 : index
      %get3A_498 = tpu.vector_load %arg7[%get3A_496, %get3A_497] {strides = array<i32>} : memref<6x128xf32, #tpu.memory_space<vmem>>, vector<1x16xf32>,
      %get3A_499 = vector.shape_cast %get3A_498 : vector<1x16xf32> to vector<16xf32>
      %mul3A_500 = arith.mulf %get3A_499, %select_n3A_49 : vector<16xf32>
      %get3A_501 = arith.constant 5 : i32
      %get3A_502 = arith.index_cast %get3A_501 : i32 to index
      %get3A_503 = arith.constant 16 : index
      %get3A_504 = tpu.vector_load %arg7[%get3A_502, %get3A_503] {strides = array<i32>} : memref<6x128xf32, #tpu.memory_space<vmem>>, vector<1x16xf32>,
      %get3A_505 = vector.shape_cast %get3A_504 : vector<1x16xf32> to vector<16xf32>
      %mul3A_506 = arith.mulf %get3A_505, %select_n3A_57 : vector<16xf32>
      %add3A_507 = arith.addf %mul3A_500, %mul3A_506 : vector<16xf32>
      %get3A_508 = arith.constant 5 : i32
      %get3A_509 = arith.index_cast %get3A_508 : i32 to index
      %get3A_510 = arith.constant 32 : index
      %get3A_511 = tpu.vector_load %arg7[%get3A_509, %get3A_510] {strides = array<i32>} : memref<6x128xf32, #tpu.memory_space<vmem>>, vector<1x16xf32>,
      %get3A_512 = vector.shape_cast %get3A_511 : vector<1x16xf32> to vector<16xf32>
      %mul3A_513 = arith.mulf %get3A_512, %select_n3A_65 : vector<16xf32>
      %add3A_514 = arith.addf %add3A_507, %mul3A_513 : vector<16xf32>
      %get3A_515 = arith.constant 5 : i32
      %get3A_516 = arith.index_cast %get3A_515 : i32 to index
      %get3A_517 = arith.constant 48 : index
      %get3A_518 = tpu.vector_load %arg7[%get3A_516, %get3A_517] {strides = array<i32>} : memref<6x128xf32, #tpu.memory_space<vmem>>, vector<1x16xf32>,
      %get3A_519 = vector.shape_cast %get3A_518 : vector<1x16xf32> to vector<16xf32>
      %mul3A_520 = arith.mulf %get3A_519, %select_n3A_73 : vector<16xf32>
      %add3A_521 = arith.addf %add3A_514, %mul3A_520 : vector<16xf32>
      %get3A_522 = arith.constant 5 : i32
      %get3A_523 = arith.index_cast %get3A_522 : i32 to index
      %get3A_524 = arith.constant 64 : index
      %get3A_525 = tpu.vector_load %arg7[%get3A_523, %get3A_524] {strides = array<i32>} : memref<6x128xf32, #tpu.memory_space<vmem>>, vector<1x16xf32>,
      %get3A_526 = vector.shape_cast %get3A_525 : vector<1x16xf32> to vector<16xf32>
      %mul3A_527 = arith.mulf %get3A_526, %select_n3A_81 : vector<16xf32>
      %add3A_528 = arith.addf %add3A_521, %mul3A_527 : vector<16xf32>
      %get3A_529 = arith.constant 5 : i32
      %get3A_530 = arith.index_cast %get3A_529 : i32 to index
      %get3A_531 = arith.constant 80 : index
      %get3A_532 = tpu.vector_load %arg7[%get3A_530, %get3A_531] {strides = array<i32>} : memref<6x128xf32, #tpu.memory_space<vmem>>, vector<1x16xf32>,
      %get3A_533 = vector.shape_cast %get3A_532 : vector<1x16xf32> to vector<16xf32>
      %mul3A_534 = arith.mulf %get3A_533, %select_n3A_89 : vector<16xf32>
      %add3A_535 = arith.addf %add3A_528, %mul3A_534 : vector<16xf32>
      %get3A_536 = arith.constant 5 : i32
      %get3A_537 = arith.index_cast %get3A_536 : i32 to index
      %get3A_538 = arith.constant 96 : index
      %get3A_539 = tpu.vector_load %arg7[%get3A_537, %get3A_538] {strides = array<i32>} : memref<6x128xf32, #tpu.memory_space<vmem>>, vector<1x16xf32>,
      %get3A_540 = vector.shape_cast %get3A_539 : vector<1x16xf32> to vector<16xf32>
      %mul3A_541 = arith.mulf %get3A_540, %select_n3A_97 : vector<16xf32>
      %add3A_542 = arith.addf %add3A_535, %mul3A_541 : vector<16xf32>
      %get3A_543 = arith.constant 5 : i32
      %get3A_544 = arith.index_cast %get3A_543 : i32 to index
      %get3A_545 = arith.constant 112 : index
      %get3A_546 = tpu.vector_load %arg7[%get3A_544, %get3A_545] {strides = array<i32>} : memref<6x128xf32, #tpu.memory_space<vmem>>, vector<1x16xf32>,
      %get3A_547 = vector.shape_cast %get3A_546 : vector<1x16xf32> to vector<16xf32>
      %mul3A_548 = arith.mulf %get3A_547, %select_n3A_105 : vector<16xf32>
      %add3A_549 = arith.addf %add3A_542, %mul3A_548 : vector<16xf32>
      %select_n3A_550 = arith.select %ge3A_34, %add3A_494, %add3A_549 : vector<16xi1>, vector<16xf32>
      %broadcast_in_dim3A_551 = vector.shape_cast %and3A_43 : vector<16xi32> to vector<16x1xi32>
      %gather3A_552 = vector.shape_cast %broadcast_in_dim3A_551 : vector<16x1xi32> to vector<16xi32>
      %gather3A_553 = tpu.dynamic_gather %select_n3A_550[%gather3A_552] in [0] : vector<16xf32>, vector<16xi32> -> vector<16xf32>
      %select_n3A_554 = arith.select %eq3A_481, %gather3A_553, %select_n3A_478 : vector<16xi1>, vector<16xf32>
      %get3A_555 = arith.constant 0 : i32
      %get3A_556 = arith.index_cast %get3A_555 : i32 to index
      %get3A_557 = arith.constant 0 : index
      %get3A_558 = tpu.vector_load %arg10[%get3A_556, %get3A_557] {strides = array<i32>} : memref<3x32xf32, #tpu.memory_space<vmem>>, vector<1x16xf32>,
      %get3A_559 = vector.shape_cast %get3A_558 : vector<1x16xf32> to vector<16xf32>
      %mul3A_560 = arith.mulf %get3A_559, %select_n3A_49 : vector<16xf32>
      %get3A_561 = arith.constant 0 : i32
      %get3A_562 = arith.index_cast %get3A_561 : i32 to index
      %get3A_563 = arith.constant 16 : index
      %get3A_564 = tpu.vector_load %arg10[%get3A_562, %get3A_563] {strides = array<i32>} : memref<3x32xf32, #tpu.memory_space<vmem>>, vector<1x16xf32>,
      %get3A_565 = vector.shape_cast %get3A_564 : vector<1x16xf32> to vector<16xf32>
      %mul3A_566 = arith.mulf %get3A_565, %select_n3A_57 : vector<16xf32>
      %add3A_567 = arith.addf %mul3A_560, %mul3A_566 : vector<16xf32>
      %get3A_568 = arith.constant 0 : i32
      %get3A_569 = arith.index_cast %get3A_568 : i32 to index
      %get3A_570 = arith.constant 0 : index
      %get3A_571 = tpu.vector_load %arg9[%get3A_569, %get3A_570] {strides = array<i32>} : memref<3x128xf32, #tpu.memory_space<vmem>>, vector<1x16xf32>,
      %get3A_572 = vector.shape_cast %get3A_571 : vector<1x16xf32> to vector<16xf32>
      %mul3A_573 = arith.mulf %get3A_572, %select_n3A_49 : vector<16xf32>
      %get3A_574 = arith.constant 0 : i32
      %get3A_575 = arith.index_cast %get3A_574 : i32 to index
      %get3A_576 = arith.constant 16 : index
      %get3A_577 = tpu.vector_load %arg9[%get3A_575, %get3A_576] {strides = array<i32>} : memref<3x128xf32, #tpu.memory_space<vmem>>, vector<1x16xf32>,
      %get3A_578 = vector.shape_cast %get3A_577 : vector<1x16xf32> to vector<16xf32>
      %mul3A_579 = arith.mulf %get3A_578, %select_n3A_57 : vector<16xf32>
      %add3A_580 = arith.addf %mul3A_573, %mul3A_579 : vector<16xf32>
      %get3A_581 = arith.constant 0 : i32
      %get3A_582 = arith.index_cast %get3A_581 : i32 to index
      %get3A_583 = arith.constant 32 : index
      %get3A_584 = tpu.vector_load %arg9[%get3A_582, %get3A_583] {strides = array<i32>} : memref<3x128xf32, #tpu.memory_space<vmem>>, vector<1x16xf32>,
      %get3A_585 = vector.shape_cast %get3A_584 : vector<1x16xf32> to vector<16xf32>
      %mul3A_586 = arith.mulf %get3A_585, %select_n3A_65 : vector<16xf32>
      %add3A_587 = arith.addf %add3A_580, %mul3A_586 : vector<16xf32>
      %get3A_588 = arith.constant 0 : i32
      %get3A_589 = arith.index_cast %get3A_588 : i32 to index
      %get3A_590 = arith.constant 48 : index
      %get3A_591 = tpu.vector_load %arg9[%get3A_589, %get3A_590] {strides = array<i32>} : memref<3x128xf32, #tpu.memory_space<vmem>>, vector<1x16xf32>,
      %get3A_592 = vector.shape_cast %get3A_591 : vector<1x16xf32> to vector<16xf32>
      %mul3A_593 = arith.mulf %get3A_592, %select_n3A_73 : vector<16xf32>
      %add3A_594 = arith.addf %add3A_587, %mul3A_593 : vector<16xf32>
      %get3A_595 = arith.constant 0 : i32
      %get3A_596 = arith.index_cast %get3A_595 : i32 to index
      %get3A_597 = arith.constant 64 : index
      %get3A_598 = tpu.vector_load %arg9[%get3A_596, %get3A_597] {strides = array<i32>} : memref<3x128xf32, #tpu.memory_space<vmem>>, vector<1x16xf32>,
      %get3A_599 = vector.shape_cast %get3A_598 : vector<1x16xf32> to vector<16xf32>
      %mul3A_600 = arith.mulf %get3A_599, %select_n3A_81 : vector<16xf32>
      %add3A_601 = arith.addf %add3A_594, %mul3A_600 : vector<16xf32>
      %get3A_602 = arith.constant 0 : i32
      %get3A_603 = arith.index_cast %get3A_602 : i32 to index
      %get3A_604 = arith.constant 80 : index
      %get3A_605 = tpu.vector_load %arg9[%get3A_603, %get3A_604] {strides = array<i32>} : memref<3x128xf32, #tpu.memory_space<vmem>>, vector<1x16xf32>,
      %get3A_606 = vector.shape_cast %get3A_605 : vector<1x16xf32> to vector<16xf32>
      %mul3A_607 = arith.mulf %get3A_606, %select_n3A_89 : vector<16xf32>
      %add3A_608 = arith.addf %add3A_601, %mul3A_607 : vector<16xf32>
      %get3A_609 = arith.constant 0 : i32
      %get3A_610 = arith.index_cast %get3A_609 : i32 to index
      %get3A_611 = arith.constant 96 : index
      %get3A_612 = tpu.vector_load %arg9[%get3A_610, %get3A_611] {strides = array<i32>} : memref<3x128xf32, #tpu.memory_space<vmem>>, vector<1x16xf32>,
      %get3A_613 = vector.shape_cast %get3A_612 : vector<1x16xf32> to vector<16xf32>
      %mul3A_614 = arith.mulf %get3A_613, %select_n3A_97 : vector<16xf32>
      %add3A_615 = arith.addf %add3A_608, %mul3A_614 : vector<16xf32>
      %get3A_616 = arith.constant 0 : i32
      %get3A_617 = arith.index_cast %get3A_616 : i32 to index
      %get3A_618 = arith.constant 112 : index
      %get3A_619 = tpu.vector_load %arg9[%get3A_617, %get3A_618] {strides = array<i32>} : memref<3x128xf32, #tpu.memory_space<vmem>>, vector<1x16xf32>,
      %get3A_620 = vector.shape_cast %get3A_619 : vector<1x16xf32> to vector<16xf32>
      %mul3A_621 = arith.mulf %get3A_620, %select_n3A_105 : vector<16xf32>
      %add3A_622 = arith.addf %add3A_615, %mul3A_621 : vector<16xf32>
      %select_n3A_623 = arith.select %ge3A_34, %add3A_567, %add3A_622 : vector<16xi1>, vector<16xf32>
      %broadcast_in_dim3A_624 = vector.shape_cast %and3A_43 : vector<16xi32> to vector<16x1xi32>
      %gather3A_625 = vector.shape_cast %broadcast_in_dim3A_624 : vector<16x1xi32> to vector<16xi32>
      %gather3A_626 = tpu.dynamic_gather %select_n3A_623[%gather3A_625] in [0] : vector<16xf32>, vector<16xi32> -> vector<16xf32>
      %eq3A_627 = arith.constant 1 : i32
      %eq3A_628 = vector.broadcast %eq3A_627 : i32 to vector<16xi32>
      %eq3A_629 = arith.cmpi eq, %iota3A, %eq3A_628 : vector<16xi32>
      %get3A_630 = arith.constant 1 : i32
      %get3A_631 = arith.index_cast %get3A_630 : i32 to index
      %get3A_632 = arith.constant 0 : index
      %get3A_633 = tpu.vector_load %arg10[%get3A_631, %get3A_632] {strides = array<i32>} : memref<3x32xf32, #tpu.memory_space<vmem>>, vector<1x16xf32>,
      %get3A_634 = vector.shape_cast %get3A_633 : vector<1x16xf32> to vector<16xf32>
      %mul3A_635 = arith.mulf %get3A_634, %select_n3A_49 : vector<16xf32>
      %get3A_636 = arith.constant 1 : i32
      %get3A_637 = arith.index_cast %get3A_636 : i32 to index
      %get3A_638 = arith.constant 16 : index
      %get3A_639 = tpu.vector_load %arg10[%get3A_637, %get3A_638] {strides = array<i32>} : memref<3x32xf32, #tpu.memory_space<vmem>>, vector<1x16xf32>,
      %get3A_640 = vector.shape_cast %get3A_639 : vector<1x16xf32> to vector<16xf32>
      %mul3A_641 = arith.mulf %get3A_640, %select_n3A_57 : vector<16xf32>
      %add3A_642 = arith.addf %mul3A_635, %mul3A_641 : vector<16xf32>
      %get3A_643 = arith.constant 1 : i32
      %get3A_644 = arith.index_cast %get3A_643 : i32 to index
      %get3A_645 = arith.constant 0 : index
      %get3A_646 = tpu.vector_load %arg9[%get3A_644, %get3A_645] {strides = array<i32>} : memref<3x128xf32, #tpu.memory_space<vmem>>, vector<1x16xf32>,
      %get3A_647 = vector.shape_cast %get3A_646 : vector<1x16xf32> to vector<16xf32>
      %mul3A_648 = arith.mulf %get3A_647, %select_n3A_49 : vector<16xf32>
      %get3A_649 = arith.constant 1 : i32
      %get3A_650 = arith.index_cast %get3A_649 : i32 to index
      %get3A_651 = arith.constant 16 : index
      %get3A_652 = tpu.vector_load %arg9[%get3A_650, %get3A_651] {strides = array<i32>} : memref<3x128xf32, #tpu.memory_space<vmem>>, vector<1x16xf32>,
      %get3A_653 = vector.shape_cast %get3A_652 : vector<1x16xf32> to vector<16xf32>
      %mul3A_654 = arith.mulf %get3A_653, %select_n3A_57 : vector<16xf32>
      %add3A_655 = arith.addf %mul3A_648, %mul3A_654 : vector<16xf32>
      %get3A_656 = arith.constant 1 : i32
      %get3A_657 = arith.index_cast %get3A_656 : i32 to index
      %get3A_658 = arith.constant 32 : index
      %get3A_659 = tpu.vector_load %arg9[%get3A_657, %get3A_658] {strides = array<i32>} : memref<3x128xf32, #tpu.memory_space<vmem>>, vector<1x16xf32>,
      %get3A_660 = vector.shape_cast %get3A_659 : vector<1x16xf32> to vector<16xf32>
      %mul3A_661 = arith.mulf %get3A_660, %select_n3A_65 : vector<16xf32>
      %add3A_662 = arith.addf %add3A_655, %mul3A_661 : vector<16xf32>
      %get3A_663 = arith.constant 1 : i32
      %get3A_664 = arith.index_cast %get3A_663 : i32 to index
      %get3A_665 = arith.constant 48 : index
      %get3A_666 = tpu.vector_load %arg9[%get3A_664, %get3A_665] {strides = array<i32>} : memref<3x128xf32, #tpu.memory_space<vmem>>, vector<1x16xf32>,
      %get3A_667 = vector.shape_cast %get3A_666 : vector<1x16xf32> to vector<16xf32>
      %mul3A_668 = arith.mulf %get3A_667, %select_n3A_73 : vector<16xf32>
      %add3A_669 = arith.addf %add3A_662, %mul3A_668 : vector<16xf32>
      %get3A_670 = arith.constant 1 : i32
      %get3A_671 = arith.index_cast %get3A_670 : i32 to index
      %get3A_672 = arith.constant 64 : index
      %get3A_673 = tpu.vector_load %arg9[%get3A_671, %get3A_672] {strides = array<i32>} : memref<3x128xf32, #tpu.memory_space<vmem>>, vector<1x16xf32>,
      %get3A_674 = vector.shape_cast %get3A_673 : vector<1x16xf32> to vector<16xf32>
      %mul3A_675 = arith.mulf %get3A_674, %select_n3A_81 : vector<16xf32>
      %add3A_676 = arith.addf %add3A_669, %mul3A_675 : vector<16xf32>
      %get3A_677 = arith.constant 1 : i32
      %get3A_678 = arith.index_cast %get3A_677 : i32 to index
      %get3A_679 = arith.constant 80 : index
      %get3A_680 = tpu.vector_load %arg9[%get3A_678, %get3A_679] {strides = array<i32>} : memref<3x128xf32, #tpu.memory_space<vmem>>, vector<1x16xf32>,
      %get3A_681 = vector.shape_cast %get3A_680 : vector<1x16xf32> to vector<16xf32>
      %mul3A_682 = arith.mulf %get3A_681, %select_n3A_89 : vector<16xf32>
      %add3A_683 = arith.addf %add3A_676, %mul3A_682 : vector<16xf32>
      %get3A_684 = arith.constant 1 : i32
      %get3A_685 = arith.index_cast %get3A_684 : i32 to index
      %get3A_686 = arith.constant 96 : index
      %get3A_687 = tpu.vector_load %arg9[%get3A_685, %get3A_686] {strides = array<i32>} : memref<3x128xf32, #tpu.memory_space<vmem>>, vector<1x16xf32>,
      %get3A_688 = vector.shape_cast %get3A_687 : vector<1x16xf32> to vector<16xf32>
      %mul3A_689 = arith.mulf %get3A_688, %select_n3A_97 : vector<16xf32>
      %add3A_690 = arith.addf %add3A_683, %mul3A_689 : vector<16xf32>
      %get3A_691 = arith.constant 1 : i32
      %get3A_692 = arith.index_cast %get3A_691 : i32 to index
      %get3A_693 = arith.constant 112 : index
      %get3A_694 = tpu.vector_load %arg9[%get3A_692, %get3A_693] {strides = array<i32>} : memref<3x128xf32, #tpu.memory_space<vmem>>, vector<1x16xf32>,
      %get3A_695 = vector.shape_cast %get3A_694 : vector<1x16xf32> to vector<16xf32>
      %mul3A_696 = arith.mulf %get3A_695, %select_n3A_105 : vector<16xf32>
      %add3A_697 = arith.addf %add3A_690, %mul3A_696 : vector<16xf32>
      %select_n3A_698 = arith.select %ge3A_34, %add3A_642, %add3A_697 : vector<16xi1>, vector<16xf32>
      %broadcast_in_dim3A_699 = vector.shape_cast %and3A_43 : vector<16xi32> to vector<16x1xi32>
      %gather3A_700 = vector.shape_cast %broadcast_in_dim3A_699 : vector<16x1xi32> to vector<16xi32>
      %gather3A_701 = tpu.dynamic_gather %select_n3A_698[%gather3A_700] in [0] : vector<16xf32>, vector<16xi32> -> vector<16xf32>
      %select_n3A_702 = arith.select %eq3A_629, %gather3A_701, %gather3A_626 : vector<16xi1>, vector<16xf32>
      %eq3A_703 = arith.constant 2 : i32
      %eq3A_704 = vector.broadcast %eq3A_703 : i32 to vector<16xi32>
      %eq3A_705 = arith.cmpi eq, %iota3A, %eq3A_704 : vector<16xi32>
      %get3A_706 = arith.constant 2 : i32
      %get3A_707 = arith.index_cast %get3A_706 : i32 to index
      %get3A_708 = arith.constant 0 : index
      %get3A_709 = tpu.vector_load %arg10[%get3A_707, %get3A_708] {strides = array<i32>} : memref<3x32xf32, #tpu.memory_space<vmem>>, vector<1x16xf32>,
      %get3A_710 = vector.shape_cast %get3A_709 : vector<1x16xf32> to vector<16xf32>
      %mul3A_711 = arith.mulf %get3A_710, %select_n3A_49 : vector<16xf32>
      %get3A_712 = arith.constant 2 : i32
      %get3A_713 = arith.index_cast %get3A_712 : i32 to index
      %get3A_714 = arith.constant 16 : index
      %get3A_715 = tpu.vector_load %arg10[%get3A_713, %get3A_714] {strides = array<i32>} : memref<3x32xf32, #tpu.memory_space<vmem>>, vector<1x16xf32>,
      %get3A_716 = vector.shape_cast %get3A_715 : vector<1x16xf32> to vector<16xf32>
      %mul3A_717 = arith.mulf %get3A_716, %select_n3A_57 : vector<16xf32>
      %add3A_718 = arith.addf %mul3A_711, %mul3A_717 : vector<16xf32>
      %get3A_719 = arith.constant 2 : i32
      %get3A_720 = arith.index_cast %get3A_719 : i32 to index
      %get3A_721 = arith.constant 0 : index
      %get3A_722 = tpu.vector_load %arg9[%get3A_720, %get3A_721] {strides = array<i32>} : memref<3x128xf32, #tpu.memory_space<vmem>>, vector<1x16xf32>,
      %get3A_723 = vector.shape_cast %get3A_722 : vector<1x16xf32> to vector<16xf32>
      %mul3A_724 = arith.mulf %get3A_723, %select_n3A_49 : vector<16xf32>
      %get3A_725 = arith.constant 2 : i32
      %get3A_726 = arith.index_cast %get3A_725 : i32 to index
      %get3A_727 = arith.constant 16 : index
      %get3A_728 = tpu.vector_load %arg9[%get3A_726, %get3A_727] {strides = array<i32>} : memref<3x128xf32, #tpu.memory_space<vmem>>, vector<1x16xf32>,
      %get3A_729 = vector.shape_cast %get3A_728 : vector<1x16xf32> to vector<16xf32>
      %mul3A_730 = arith.mulf %get3A_729, %select_n3A_57 : vector<16xf32>
      %add3A_731 = arith.addf %mul3A_724, %mul3A_730 : vector<16xf32>
      %get3A_732 = arith.constant 2 : i32
      %get3A_733 = arith.index_cast %get3A_732 : i32 to index
      %get3A_734 = arith.constant 32 : index
      %get3A_735 = tpu.vector_load %arg9[%get3A_733, %get3A_734] {strides = array<i32>} : memref<3x128xf32, #tpu.memory_space<vmem>>, vector<1x16xf32>,
      %get3A_736 = vector.shape_cast %get3A_735 : vector<1x16xf32> to vector<16xf32>
      %mul3A_737 = arith.mulf %get3A_736, %select_n3A_65 : vector<16xf32>
      %add3A_738 = arith.addf %add3A_731, %mul3A_737 : vector<16xf32>
      %get3A_739 = arith.constant 2 : i32
      %get3A_740 = arith.index_cast %get3A_739 : i32 to index
      %get3A_741 = arith.constant 48 : index
      %get3A_742 = tpu.vector_load %arg9[%get3A_740, %get3A_741] {strides = array<i32>} : memref<3x128xf32, #tpu.memory_space<vmem>>, vector<1x16xf32>,
      %get3A_743 = vector.shape_cast %get3A_742 : vector<1x16xf32> to vector<16xf32>
      %mul3A_744 = arith.mulf %get3A_743, %select_n3A_73 : vector<16xf32>
      %add3A_745 = arith.addf %add3A_738, %mul3A_744 : vector<16xf32>
      %get3A_746 = arith.constant 2 : i32
      %get3A_747 = arith.index_cast %get3A_746 : i32 to index
      %get3A_748 = arith.constant 64 : index
      %get3A_749 = tpu.vector_load %arg9[%get3A_747, %get3A_748] {strides = array<i32>} : memref<3x128xf32, #tpu.memory_space<vmem>>, vector<1x16xf32>,
      %get3A_750 = vector.shape_cast %get3A_749 : vector<1x16xf32> to vector<16xf32>
      %mul3A_751 = arith.mulf %get3A_750, %select_n3A_81 : vector<16xf32>
      %add3A_752 = arith.addf %add3A_745, %mul3A_751 : vector<16xf32>
      %get3A_753 = arith.constant 2 : i32
      %get3A_754 = arith.index_cast %get3A_753 : i32 to index
      %get3A_755 = arith.constant 80 : index
      %get3A_756 = tpu.vector_load %arg9[%get3A_754, %get3A_755] {strides = array<i32>} : memref<3x128xf32, #tpu.memory_space<vmem>>, vector<1x16xf32>,
      %get3A_757 = vector.shape_cast %get3A_756 : vector<1x16xf32> to vector<16xf32>
      %mul3A_758 = arith.mulf %get3A_757, %select_n3A_89 : vector<16xf32>
      %add3A_759 = arith.addf %add3A_752, %mul3A_758 : vector<16xf32>
      %get3A_760 = arith.constant 2 : i32
      %get3A_761 = arith.index_cast %get3A_760 : i32 to index
      %get3A_762 = arith.constant 96 : index
      %get3A_763 = tpu.vector_load %arg9[%get3A_761, %get3A_762] {strides = array<i32>} : memref<3x128xf32, #tpu.memory_space<vmem>>, vector<1x16xf32>,
      %get3A_764 = vector.shape_cast %get3A_763 : vector<1x16xf32> to vector<16xf32>
      %mul3A_765 = arith.mulf %get3A_764, %select_n3A_97 : vector<16xf32>
      %add3A_766 = arith.addf %add3A_759, %mul3A_765 : vector<16xf32>
      %get3A_767 = arith.constant 2 : i32
      %get3A_768 = arith.index_cast %get3A_767 : i32 to index
      %get3A_769 = arith.constant 112 : index
      %get3A_770 = tpu.vector_load %arg9[%get3A_768, %get3A_769] {strides = array<i32>} : memref<3x128xf32, #tpu.memory_space<vmem>>, vector<1x16xf32>,
      %get3A_771 = vector.shape_cast %get3A_770 : vector<1x16xf32> to vector<16xf32>
      %mul3A_772 = arith.mulf %get3A_771, %select_n3A_105 : vector<16xf32>
      %add3A_773 = arith.addf %add3A_766, %mul3A_772 : vector<16xf32>
      %select_n3A_774 = arith.select %ge3A_34, %add3A_718, %add3A_773 : vector<16xi1>, vector<16xf32>
      %broadcast_in_dim3A_775 = vector.shape_cast %and3A_43 : vector<16xi32> to vector<16x1xi32>
      %gather3A_776 = vector.shape_cast %broadcast_in_dim3A_775 : vector<16x1xi32> to vector<16xi32>
      %gather3A_777 = tpu.dynamic_gather %select_n3A_774[%gather3A_776] in [0] : vector<16xf32>, vector<16xi32> -> vector<16xf32>
      %select_n3A_778 = arith.select %eq3A_705, %gather3A_777, %select_n3A_702 : vector<16xi1>, vector<16xf32>
      %ge3A_779 = arith.constant 3 : i32
      %ge3A_780 = vector.broadcast %ge3A_779 : i32 to vector<16xi32>
      %ge3A_781 = arith.cmpi sge, %iota3A, %ge3A_780 : vector<16xi32>
      %jit3A_782 = arith.constant 1 : i32
      %jit3A_783 = arith.constant 0 : i32
      %broadcast_in_dim3A_784 = vector.broadcast %jit3A_782 : i32 to vector<16xi32>
      %broadcast_in_dim3A_785 = vector.broadcast %jit3A_783 : i32 to vector<16xi32>
      %select_n3A_786 = arith.select %ge3A_781, %broadcast_in_dim3A_784, %broadcast_in_dim3A_785 : vector<16xi1>, vector<16xi32>
      %ge3A_787 = arith.constant 6 : i32
      %ge3A_788 = vector.broadcast %ge3A_787 : i32 to vector<16xi32>
      %ge3A_789 = arith.cmpi sge, %iota3A, %ge3A_788 : vector<16xi32>
      %jit3A_790 = arith.constant 1 : i32
      %jit3A_791 = arith.constant 0 : i32
      %broadcast_in_dim3A_792 = vector.broadcast %jit3A_790 : i32 to vector<16xi32>
      %broadcast_in_dim3A_793 = vector.broadcast %jit3A_791 : i32 to vector<16xi32>
      %select_n3A_794 = arith.select %ge3A_789, %broadcast_in_dim3A_792, %broadcast_in_dim3A_793 : vector<16xi1>, vector<16xi32>
      %add3A_795 = arith.addi %select_n3A_786, %select_n3A_794 : vector<16xi32>
      %ge3A_796 = arith.constant 9 : i32
      %ge3A_797 = vector.broadcast %ge3A_796 : i32 to vector<16xi32>
      %ge3A_798 = arith.cmpi sge, %iota3A, %ge3A_797 : vector<16xi32>
      %jit3A_799 = arith.constant 1 : i32
      %jit3A_800 = arith.constant 0 : i32
      %broadcast_in_dim3A_801 = vector.broadcast %jit3A_799 : i32 to vector<16xi32>
      %broadcast_in_dim3A_802 = vector.broadcast %jit3A_800 : i32 to vector<16xi32>
      %select_n3A_803 = arith.select %ge3A_798, %broadcast_in_dim3A_801, %broadcast_in_dim3A_802 : vector<16xi1>, vector<16xi32>
      %add3A_804 = arith.addi %add3A_795, %select_n3A_803 : vector<16xi32>
      %ge3A_805 = arith.constant 12 : i32
      %ge3A_806 = vector.broadcast %ge3A_805 : i32 to vector<16xi32>
      %ge3A_807 = arith.cmpi sge, %iota3A, %ge3A_806 : vector<16xi32>
      %jit3A_808 = arith.constant 1 : i32
      %jit3A_809 = arith.constant 0 : i32
      %broadcast_in_dim3A_810 = vector.broadcast %jit3A_808 : i32 to vector<16xi32>
      %broadcast_in_dim3A_811 = vector.broadcast %jit3A_809 : i32 to vector<16xi32>
      %select_n3A_812 = arith.select %ge3A_807, %broadcast_in_dim3A_810, %broadcast_in_dim3A_811 : vector<16xi1>, vector<16xi32>
      %add3A_813 = arith.addi %add3A_804, %select_n3A_812 : vector<16xi32>
      %ge3A_814 = arith.constant 15 : i32
      %ge3A_815 = vector.broadcast %ge3A_814 : i32 to vector<16xi32>
      %ge3A_816 = arith.cmpi sge, %iota3A, %ge3A_815 : vector<16xi32>
      %jit3A_817 = arith.constant 1 : i32
      %jit3A_818 = arith.constant 0 : i32
      %broadcast_in_dim3A_819 = vector.broadcast %jit3A_817 : i32 to vector<16xi32>
      %broadcast_in_dim3A_820 = vector.broadcast %jit3A_818 : i32 to vector<16xi32>
      %select_n3A_821 = arith.select %ge3A_816, %broadcast_in_dim3A_819, %broadcast_in_dim3A_820 : vector<16xi1>, vector<16xi32>
      %add3A_822 = arith.addi %add3A_813, %select_n3A_821 : vector<16xi32>
      %mul3A_823 = arith.constant 3 : i32
      %mul3A_824 = vector.broadcast %mul3A_823 : i32 to vector<16xi32>
      %mul3A_825 = arith.muli %add3A_822, %mul3A_824 : vector<16xi32>
      %sub3A_826 = arith.subi %iota3A, %mul3A_825 : vector<16xi32>
      %ge3A_827 = arith.constant 2 : i32
      %ge3A_828 = vector.broadcast %ge3A_827 : i32 to vector<16xi32>
      %ge3A_829 = arith.cmpi sge, %add3A_822, %ge3A_828 : vector<16xi32>
      %jit3A_830 = arith.constant 3 : i32
      %jit3A_831 = arith.constant 0 : i32
      %broadcast_in_dim3A_832 = vector.broadcast %jit3A_830 : i32 to vector<16xi32>
      %broadcast_in_dim3A_833 = vector.broadcast %jit3A_831 : i32 to vector<16xi32>
      %select_n3A_834 = arith.select %ge3A_829, %broadcast_in_dim3A_832, %broadcast_in_dim3A_833 : vector<16xi1>, vector<16xi32>
      %add3A_835 = arith.addi %sub3A_826, %select_n3A_834 : vector<16xi32>
      %broadcast_in_dim3A_836 = vector.shape_cast %add3A_835 : vector<16xi32> to vector<16x1xi32>
      %gather3A_837 = vector.shape_cast %broadcast_in_dim3A_836 : vector<16x1xi32> to vector<16xi32>
      %gather3A_838 = tpu.dynamic_gather %select_n3A_554[%gather3A_837] in [0] : vector<16xf32>, vector<16xi32> -> vector<16xf32>
      %ge3A_839 = arith.constant 1 : i32
      %ge3A_840 = vector.broadcast %ge3A_839 : i32 to vector<16xi32>
      %ge3A_841 = arith.cmpi sge, %add3A_822, %ge3A_840 : vector<16xi32>
      %jit3A_842 = arith.constant 3 : i32
      %jit3A_843 = arith.constant 0 : i32
      %broadcast_in_dim3A_844 = vector.broadcast %jit3A_842 : i32 to vector<16xi32>
      %broadcast_in_dim3A_845 = vector.broadcast %jit3A_843 : i32 to vector<16xi32>
      %select_n3A_846 = arith.select %ge3A_841, %broadcast_in_dim3A_844, %broadcast_in_dim3A_845 : vector<16xi1>, vector<16xi32>
      %add3A_847 = arith.addi %sub3A_826, %select_n3A_846 : vector<16xi32>
      %broadcast_in_dim3A_848 = vector.shape_cast %add3A_847 : vector<16xi32> to vector<16x1xi32>
      %gather3A_849 = vector.shape_cast %broadcast_in_dim3A_848 : vector<16x1xi32> to vector<16xi32>
      %gather3A_850 = tpu.dynamic_gather %select_n3A_554[%gather3A_849] in [0] : vector<16xf32>, vector<16xi32> -> vector<16xf32>
      %mul3A_851 = arith.mulf %gather3A_838, %gather3A_850 : vector<16xf32>
      %ge3A_852 = arith.constant 2 : i32
      %ge3A_853 = vector.broadcast %ge3A_852 : i32 to vector<16xi32>
      %ge3A_854 = arith.cmpi sge, %sub3A_826, %ge3A_853 : vector<16xi32>
      %jit3A_855 = arith.constant -2 : i32
      %jit3A_856 = arith.constant 1 : i32
      %broadcast_in_dim3A_857 = vector.broadcast %jit3A_855 : i32 to vector<16xi32>
      %broadcast_in_dim3A_858 = vector.broadcast %jit3A_856 : i32 to vector<16xi32>
      %select_n3A_859 = arith.select %ge3A_854, %broadcast_in_dim3A_857, %broadcast_in_dim3A_858 : vector<16xi1>, vector<16xi32>
      %add3A_860 = arith.addi %sub3A_826, %select_n3A_859 : vector<16xi32>
      %ge3A_861 = arith.constant 2 : i32
      %ge3A_862 = vector.broadcast %ge3A_861 : i32 to vector<16xi32>
      %ge3A_863 = arith.cmpi sge, %add3A_860, %ge3A_862 : vector<16xi32>
      %jit3A_864 = arith.constant -2 : i32
      %jit3A_865 = arith.constant 1 : i32
      %broadcast_in_dim3A_866 = vector.broadcast %jit3A_864 : i32 to vector<16xi32>
      %broadcast_in_dim3A_867 = vector.broadcast %jit3A_865 : i32 to vector<16xi32>
      %select_n3A_868 = arith.select %ge3A_863, %broadcast_in_dim3A_866, %broadcast_in_dim3A_867 : vector<16xi1>, vector<16xi32>
      %add3A_869 = arith.addi %add3A_860, %select_n3A_868 : vector<16xi32>
      %add3A_870 = arith.addi %mul3A_825, %add3A_860 : vector<16xi32>
      %min3A_871 = arith.constant 15 : i32
      %min3A_872 = vector.broadcast %min3A_871 : i32 to vector<16xi32>
      %min3A_873 = arith.minsi %add3A_870, %min3A_872 : vector<16xi32>
      %add3A_874 = arith.addi %mul3A_825, %add3A_869 : vector<16xi32>
      %min3A_875 = arith.constant 15 : i32
      %min3A_876 = vector.broadcast %min3A_875 : i32 to vector<16xi32>
      %min3A_877 = arith.minsi %add3A_874, %min3A_876 : vector<16xi32>
      %broadcast_in_dim3A_878 = vector.shape_cast %min3A_873 : vector<16xi32> to vector<16x1xi32>
      %gather3A_879 = vector.shape_cast %broadcast_in_dim3A_878 : vector<16x1xi32> to vector<16xi32>
      %gather3A_880 = tpu.dynamic_gather %mul3A_851[%gather3A_879] in [0] : vector<16xf32>, vector<16xi32> -> vector<16xf32>
      %add3A_881 = arith.addf %mul3A_851, %gather3A_880 : vector<16xf32>
      %broadcast_in_dim3A_882 = vector.shape_cast %min3A_877 : vector<16xi32> to vector<16x1xi32>
      %gather3A_883 = vector.shape_cast %broadcast_in_dim3A_882 : vector<16x1xi32> to vector<16xi32>
      %gather3A_884 = tpu.dynamic_gather %mul3A_851[%gather3A_883] in [0] : vector<16xf32>, vector<16xi32> -> vector<16xf32>
      %add3A_885 = arith.addf %add3A_881, %gather3A_884 : vector<16xf32>
      %mul3A_886 = arith.constant 0 : i32
      %mul3A_887 = vector.broadcast %mul3A_886 : i32 to vector<16xi32>
      %mul3A_888 = arith.muli %iota3A, %mul3A_887 : vector<16xi32>
      %broadcast_in_dim3A_889 = vector.shape_cast %mul3A_888 : vector<16xi32> to vector<16x1xi32>
      %gather3A_890 = vector.shape_cast %broadcast_in_dim3A_889 : vector<16x1xi32> to vector<16xi32>
      %gather3A_891 = tpu.dynamic_gather %add3A_885[%gather3A_890] in [0] : vector<16xf32>, vector<16xi32> -> vector<16xf32>
      %add3A_892 = arith.constant 3 : i32
      %add3A_893 = vector.broadcast %add3A_892 : i32 to vector<16xi32>
      %add3A_894 = arith.addi %mul3A_888, %add3A_893 : vector<16xi32>
      %broadcast_in_dim3A_895 = vector.shape_cast %add3A_894 : vector<16xi32> to vector<16x1xi32>
      %gather3A_896 = vector.shape_cast %broadcast_in_dim3A_895 : vector<16x1xi32> to vector<16xi32>
      %gather3A_897 = tpu.dynamic_gather %add3A_885[%gather3A_896] in [0] : vector<16xf32>, vector<16xi32> -> vector<16xf32>
      %add3A_898 = arith.constant 6 : i32
      %add3A_899 = vector.broadcast %add3A_898 : i32 to vector<16xi32>
      %add3A_900 = arith.addi %mul3A_888, %add3A_899 : vector<16xi32>
      %broadcast_in_dim3A_901 = vector.shape_cast %add3A_900 : vector<16xi32> to vector<16x1xi32>
      %gather3A_902 = vector.shape_cast %broadcast_in_dim3A_901 : vector<16x1xi32> to vector<16xi32>
      %gather3A_903 = tpu.dynamic_gather %add3A_885[%gather3A_902] in [0] : vector<16xf32>, vector<16xi32> -> vector<16xf32>
      %div3A = arith.divf %gather3A_897, %gather3A_891 : vector<16xf32>
      %mul3A_904 = arith.mulf %div3A, %gather3A_897 : vector<16xf32>
      %sub3A_905 = arith.subf %gather3A_903, %mul3A_904 : vector<16xf32>
      %bitcast_convert_type3A = tpu.bitcast %gather3A_891 : vector<16xf32> -> vector<16xi32>
      %shift_right_arithmetic3A_906 = arith.constant 1 : i32
      %shift_right_arithmetic3A_907 = vector.broadcast %shift_right_arithmetic3A_906 : i32 to vector<16xi32>
      %shift_right_arithmetic3A_908 = arith.shrsi %bitcast_convert_type3A, %shift_right_arithmetic3A_907 : vector<16xi32>
      %sub3A_909 = arith.constant 1597463007 : i32
      %sub3A_910 = vector.broadcast %sub3A_909 : i32 to vector<16xi32>
      %sub3A_911 = arith.subi %sub3A_910, %shift_right_arithmetic3A_908 : vector<16xi32>
      %bitcast_convert_type3A_912 = tpu.bitcast %sub3A_911 : vector<16xi32> -> vector<16xf32>
      %mul3A_913 = arith.constant 5.000000e-01 : f32
      %mul3A_914 = vector.broadcast %mul3A_913 : f32 to vector<16xf32>
      %mul3A_915 = arith.mulf %mul3A_914, %gather3A_891 : vector<16xf32>
      %mul3A_916 = arith.mulf %mul3A_915, %bitcast_convert_type3A_912 : vector<16xf32>
      %mul3A_917 = arith.mulf %mul3A_916, %bitcast_convert_type3A_912 : vector<16xf32>
      %sub3A_918 = arith.constant 1.500000e+00 : f32
      %sub3A_919 = vector.broadcast %sub3A_918 : f32 to vector<16xf32>
      %sub3A_920 = arith.subf %sub3A_919, %mul3A_917 : vector<16xf32>
      %mul3A_921 = arith.mulf %bitcast_convert_type3A_912, %sub3A_920 : vector<16xf32>
      %mul3A_922 = arith.constant 5.000000e-01 : f32
      %mul3A_923 = vector.broadcast %mul3A_922 : f32 to vector<16xf32>
      %mul3A_924 = arith.mulf %mul3A_923, %gather3A_891 : vector<16xf32>
      %mul3A_925 = arith.mulf %mul3A_924, %mul3A_921 : vector<16xf32>
      %mul3A_926 = arith.mulf %mul3A_925, %mul3A_921 : vector<16xf32>
      %sub3A_927 = arith.constant 1.500000e+00 : f32
      %sub3A_928 = vector.broadcast %sub3A_927 : f32 to vector<16xf32>
      %sub3A_929 = arith.subf %sub3A_928, %mul3A_926 : vector<16xf32>
      %mul3A_930 = arith.mulf %mul3A_921, %sub3A_929 : vector<16xf32>
      %mul3A_931 = arith.constant 5.000000e-01 : f32
      %mul3A_932 = vector.broadcast %mul3A_931 : f32 to vector<16xf32>
      %mul3A_933 = arith.mulf %mul3A_932, %gather3A_891 : vector<16xf32>
      %mul3A_934 = arith.mulf %mul3A_933, %mul3A_930 : vector<16xf32>
      %mul3A_935 = arith.mulf %mul3A_934, %mul3A_930 : vector<16xf32>
      %sub3A_936 = arith.constant 1.500000e+00 : f32
      %sub3A_937 = vector.broadcast %sub3A_936 : f32 to vector<16xf32>
      %sub3A_938 = arith.subf %sub3A_937, %mul3A_935 : vector<16xf32>
      %mul3A_939 = arith.mulf %mul3A_930, %sub3A_938 : vector<16xf32>
      %bitcast_convert_type3A_940 = tpu.bitcast %sub3A_905 : vector<16xf32> -> vector<16xi32>
      %shift_right_arithmetic3A_941 = arith.constant 1 : i32
      %shift_right_arithmetic3A_942 = vector.broadcast %shift_right_arithmetic3A_941 : i32 to vector<16xi32>
      %shift_right_arithmetic3A_943 = arith.shrsi %bitcast_convert_type3A_940, %shift_right_arithmetic3A_942 : vector<16xi32>
      %sub3A_944 = arith.constant 1597463007 : i32
      %sub3A_945 = vector.broadcast %sub3A_944 : i32 to vector<16xi32>
      %sub3A_946 = arith.subi %sub3A_945, %shift_right_arithmetic3A_943 : vector<16xi32>
      %bitcast_convert_type3A_947 = tpu.bitcast %sub3A_946 : vector<16xi32> -> vector<16xf32>
      %mul3A_948 = arith.constant 5.000000e-01 : f32
      %mul3A_949 = vector.broadcast %mul3A_948 : f32 to vector<16xf32>
      %mul3A_950 = arith.mulf %mul3A_949, %sub3A_905 : vector<16xf32>
      %mul3A_951 = arith.mulf %mul3A_950, %bitcast_convert_type3A_947 : vector<16xf32>
      %mul3A_952 = arith.mulf %mul3A_951, %bitcast_convert_type3A_947 : vector<16xf32>
      %sub3A_953 = arith.constant 1.500000e+00 : f32
      %sub3A_954 = vector.broadcast %sub3A_953 : f32 to vector<16xf32>
      %sub3A_955 = arith.subf %sub3A_954, %mul3A_952 : vector<16xf32>
      %mul3A_956 = arith.mulf %bitcast_convert_type3A_947, %sub3A_955 : vector<16xf32>
      %mul3A_957 = arith.constant 5.000000e-01 : f32
      %mul3A_958 = vector.broadcast %mul3A_957 : f32 to vector<16xf32>
      %mul3A_959 = arith.mulf %mul3A_958, %sub3A_905 : vector<16xf32>
      %mul3A_960 = arith.mulf %mul3A_959, %mul3A_956 : vector<16xf32>
      %mul3A_961 = arith.mulf %mul3A_960, %mul3A_956 : vector<16xf32>
      %sub3A_962 = arith.constant 1.500000e+00 : f32
      %sub3A_963 = vector.broadcast %sub3A_962 : f32 to vector<16xf32>
      %sub3A_964 = arith.subf %sub3A_963, %mul3A_961 : vector<16xf32>
      %mul3A_965 = arith.mulf %mul3A_956, %sub3A_964 : vector<16xf32>
      %mul3A_966 = arith.constant 5.000000e-01 : f32
      %mul3A_967 = vector.broadcast %mul3A_966 : f32 to vector<16xf32>
      %mul3A_968 = arith.mulf %mul3A_967, %sub3A_905 : vector<16xf32>
      %mul3A_969 = arith.mulf %mul3A_968, %mul3A_965 : vector<16xf32>
      %mul3A_970 = arith.mulf %mul3A_969, %mul3A_965 : vector<16xf32>
      %sub3A_971 = arith.constant 1.500000e+00 : f32
      %sub3A_972 = vector.broadcast %sub3A_971 : f32 to vector<16xf32>
      %sub3A_973 = arith.subf %sub3A_972, %mul3A_970 : vector<16xf32>
      %mul3A_974 = arith.mulf %mul3A_965, %sub3A_973 : vector<16xf32>
      %and3A_975 = arith.constant 3 : i32
      %and3A_976 = vector.broadcast %and3A_975 : i32 to vector<16xi32>
      %and3A_977 = arith.andi %iota3A, %and3A_976 : vector<16xi32>
      %min3A_978 = arith.constant 5 : i32
      %min3A_979 = vector.broadcast %min3A_978 : i32 to vector<16xi32>
      %min3A_980 = arith.minsi %and3A_977, %min3A_979 : vector<16xi32>
      %broadcast_in_dim3A_981 = vector.shape_cast %min3A_980 : vector<16xi32> to vector<16x1xi32>
      %gather3A_982 = vector.shape_cast %broadcast_in_dim3A_981 : vector<16x1xi32> to vector<16xi32>
      %gather3A_983 = tpu.dynamic_gather %select_n3A_554[%gather3A_982] in [0] : vector<16xf32>, vector<16xi32> -> vector<16xf32>
      %add3A_984 = arith.constant 3 : i32
      %add3A_985 = vector.broadcast %add3A_984 : i32 to vector<16xi32>
      %add3A_986 = arith.addi %min3A_980, %add3A_985 : vector<16xi32>
      %min3A_987 = arith.constant 5 : i32
      %min3A_988 = vector.broadcast %min3A_987 : i32 to vector<16xi32>
      %min3A_989 = arith.minsi %add3A_986, %min3A_988 : vector<16xi32>
      %broadcast_in_dim3A_990 = vector.shape_cast %min3A_989 : vector<16xi32> to vector<16x1xi32>
      %gather3A_991 = vector.shape_cast %broadcast_in_dim3A_990 : vector<16x1xi32> to vector<16xi32>
      %gather3A_992 = tpu.dynamic_gather %select_n3A_554[%gather3A_991] in [0] : vector<16xf32>, vector<16xi32> -> vector<16xf32>
      %ge3A_993 = arith.constant 8 : i32
      %ge3A_994 = vector.broadcast %ge3A_993 : i32 to vector<16xi32>
      %ge3A_995 = arith.cmpi sge, %iota3A, %ge3A_994 : vector<16xi32>
      %lt3A = arith.constant 11 : i32
      %lt3A_996 = vector.broadcast %lt3A : i32 to vector<16xi32>
      %lt3A_997 = arith.cmpi slt, %iota3A, %lt3A_996 : vector<16xi32>
      %and3A_998 = arith.andi %ge3A_995, %lt3A_997 : vector<16xi1>
      %sub3A_999 = arith.constant 8 : i32
      %sub3A_1000 = vector.broadcast %sub3A_999 : i32 to vector<16xi32>
      %sub3A_1001 = arith.subi %iota3A, %sub3A_1000 : vector<16xi32>
      %add3A_1002 = arith.constant 1 : i32
      %add3A_1003 = vector.broadcast %add3A_1002 : i32 to vector<16xi32>
      %add3A_1004 = arith.addi %sub3A_1001, %add3A_1003 : vector<16xi32>
      %rem3A = arith.constant 3 : i32
      %rem3A_1005 = vector.broadcast %rem3A : i32 to vector<16xi32>
      %rem3A_1006 = arith.remsi %add3A_1004, %rem3A_1005 : vector<16xi32>
      %jit3A_1007 = arith.constant 0 : i32
      %broadcast_in_dim3A_1008 = vector.broadcast %jit3A_1007 : i32 to vector<16xi32>
      %select_n3A_1009 = arith.select %and3A_998, %rem3A_1006, %broadcast_in_dim3A_1008 : vector<16xi1>, vector<16xi32>
      %add3A_1010 = arith.constant 2 : i32
      %add3A_1011 = vector.broadcast %add3A_1010 : i32 to vector<16xi32>
      %add3A_1012 = arith.addi %sub3A_1001, %add3A_1011 : vector<16xi32>
      %rem3A_1013 = arith.constant 3 : i32
      %rem3A_1014 = vector.broadcast %rem3A_1013 : i32 to vector<16xi32>
      %rem3A_1015 = arith.remsi %add3A_1012, %rem3A_1014 : vector<16xi32>
      %jit3A_1016 = arith.constant 0 : i32
      %broadcast_in_dim3A_1017 = vector.broadcast %jit3A_1016 : i32 to vector<16xi32>
      %select_n3A_1018 = arith.select %and3A_998, %rem3A_1015, %broadcast_in_dim3A_1017 : vector<16xi1>, vector<16xi32>
      %broadcast_in_dim3A_1019 = vector.shape_cast %select_n3A_1009 : vector<16xi32> to vector<16x1xi32>
      %gather3A_1020 = vector.shape_cast %broadcast_in_dim3A_1019 : vector<16x1xi32> to vector<16xi32>
      %gather3A_1021 = tpu.dynamic_gather %select_n3A_554[%gather3A_1020] in [0] : vector<16xf32>, vector<16xi32> -> vector<16xf32>
      %add3A_1022 = arith.constant 3 : i32
      %add3A_1023 = vector.broadcast %add3A_1022 : i32 to vector<16xi32>
      %add3A_1024 = arith.addi %select_n3A_1018, %add3A_1023 : vector<16xi32>
      %broadcast_in_dim3A_1025 = vector.shape_cast %add3A_1024 : vector<16xi32> to vector<16x1xi32>
      %gather3A_1026 = vector.shape_cast %broadcast_in_dim3A_1025 : vector<16x1xi32> to vector<16xi32>
      %gather3A_1027 = tpu.dynamic_gather %select_n3A_554[%gather3A_1026] in [0] : vector<16xf32>, vector<16xi32> -> vector<16xf32>
      %broadcast_in_dim3A_1028 = vector.shape_cast %select_n3A_1018 : vector<16xi32> to vector<16x1xi32>
      %gather3A_1029 = vector.shape_cast %broadcast_in_dim3A_1028 : vector<16x1xi32> to vector<16xi32>
      %gather3A_1030 = tpu.dynamic_gather %select_n3A_554[%gather3A_1029] in [0] : vector<16xf32>, vector<16xi32> -> vector<16xf32>
      %add3A_1031 = arith.constant 3 : i32
      %add3A_1032 = vector.broadcast %add3A_1031 : i32 to vector<16xi32>
      %add3A_1033 = arith.addi %select_n3A_1009, %add3A_1032 : vector<16xi32>
      %broadcast_in_dim3A_1034 = vector.shape_cast %add3A_1033 : vector<16xi32> to vector<16x1xi32>
      %gather3A_1035 = vector.shape_cast %broadcast_in_dim3A_1034 : vector<16x1xi32> to vector<16xi32>
      %gather3A_1036 = tpu.dynamic_gather %select_n3A_554[%gather3A_1035] in [0] : vector<16xf32>, vector<16xi32> -> vector<16xf32>
      %mul3A_1037 = arith.mulf %mul3A_939, %mul3A_974 : vector<16xf32>
      %mul3A_1038 = arith.mulf %gather3A_1021, %gather3A_1027 : vector<16xf32>
      %mul3A_1039 = arith.mulf %gather3A_1030, %gather3A_1036 : vector<16xf32>
      %sub3A_1040 = arith.subf %mul3A_1038, %mul3A_1039 : vector<16xf32>
      %mul3A_1041 = arith.mulf %mul3A_1037, %sub3A_1040 : vector<16xf32>
      %eq3A_1042 = arith.constant 3 : i32
      %eq3A_1043 = vector.broadcast %eq3A_1042 : i32 to vector<16xi32>
      %eq3A_1044 = arith.cmpi eq, %iota3A, %eq3A_1043 : vector<16xi32>
      %eq3A_1045 = arith.constant 7 : i32
      %eq3A_1046 = vector.broadcast %eq3A_1045 : i32 to vector<16xi32>
      %eq3A_1047 = arith.cmpi eq, %iota3A, %eq3A_1046 : vector<16xi32>
      %or3A = arith.ori %eq3A_1044, %eq3A_1047 : vector<16xi1>
      %eq3A_1048 = arith.constant 11 : i32
      %eq3A_1049 = vector.broadcast %eq3A_1048 : i32 to vector<16xi32>
      %eq3A_1050 = arith.cmpi eq, %iota3A, %eq3A_1049 : vector<16xi32>
      %or3A_1051 = arith.ori %or3A, %eq3A_1050 : vector<16xi1>
      %sub3A_1052 = arith.constant 3 : i32
      %sub3A_1053 = vector.broadcast %sub3A_1052 : i32 to vector<16xi32>
      %sub3A_1054 = arith.subi %iota3A, %sub3A_1053 : vector<16xi32>
      %shift_right_arithmetic3A_1055 = arith.constant 2 : i32
      %shift_right_arithmetic3A_1056 = vector.broadcast %shift_right_arithmetic3A_1055 : i32 to vector<16xi32>
      %shift_right_arithmetic3A_1057 = arith.shrsi %sub3A_1054, %shift_right_arithmetic3A_1056 : vector<16xi32>
      %jit3A_1058 = arith.constant 0 : i32
      %broadcast_in_dim3A_1059 = vector.broadcast %jit3A_1058 : i32 to vector<16xi32>
      %select_n3A_1060 = arith.select %or3A_1051, %shift_right_arithmetic3A_1057, %broadcast_in_dim3A_1059 : vector<16xi1>, vector<16xi32>
      %broadcast_in_dim3A_1061 = vector.shape_cast %select_n3A_1060 : vector<16xi32> to vector<16x1xi32>
      %gather3A_1062 = vector.shape_cast %broadcast_in_dim3A_1061 : vector<16x1xi32> to vector<16xi32>
      %gather3A_1063 = tpu.dynamic_gather %select_n3A_778[%gather3A_1062] in [0] : vector<16xf32>, vector<16xi32> -> vector<16xf32>
      %lt3A_1064 = arith.constant 3 : i32
      %lt3A_1065 = vector.broadcast %lt3A_1064 : i32 to vector<16xi32>
      %lt3A_1066 = arith.cmpi slt, %iota3A, %lt3A_1065 : vector<16xi32>
      %ge3A_1067 = arith.constant 4 : i32
      %ge3A_1068 = vector.broadcast %ge3A_1067 : i32 to vector<16xi32>
      %ge3A_1069 = arith.cmpi sge, %iota3A, %ge3A_1068 : vector<16xi32>
      %lt3A_1070 = arith.constant 7 : i32
      %lt3A_1071 = vector.broadcast %lt3A_1070 : i32 to vector<16xi32>
      %lt3A_1072 = arith.cmpi slt, %iota3A, %lt3A_1071 : vector<16xi32>
      %and3A_1073 = arith.andi %ge3A_1069, %lt3A_1072 : vector<16xi1>
      %eq3A_1074 = arith.constant 15 : i32
      %eq3A_1075 = vector.broadcast %eq3A_1074 : i32 to vector<16xi32>
      %eq3A_1076 = arith.cmpi eq, %iota3A, %eq3A_1075 : vector<16xi32>
      %jit3A_1077 = arith.constant 1.000000e+00 : f32
      %jit3A_1078 = arith.constant 0.000000e+00 : f32
      %broadcast_in_dim3A_1079 = vector.broadcast %jit3A_1077 : f32 to vector<16xf32>
      %broadcast_in_dim3A_1080 = vector.broadcast %jit3A_1078 : f32 to vector<16xf32>
      %select_n3A_1081 = arith.select %eq3A_1076, %broadcast_in_dim3A_1079, %broadcast_in_dim3A_1080 : vector<16xi1>, vector<16xf32>
      %mul3A_1082 = arith.mulf %mul3A_939, %gather3A_983 : vector<16xf32>
      %mul3A_1083 = arith.mulf %div3A, %gather3A_983 : vector<16xf32>
      %sub3A_1084 = arith.subf %gather3A_992, %mul3A_1083 : vector<16xf32>
      %mul3A_1085 = arith.mulf %mul3A_974, %sub3A_1084 : vector<16xf32>
      %select_n3A_1086 = arith.select %or3A_1051, %gather3A_1063, %select_n3A_1081 : vector<16xi1>, vector<16xf32>
      %select_n3A_1087 = arith.select %and3A_998, %mul3A_1041, %select_n3A_1086 : vector<16xi1>, vector<16xf32>
      %select_n3A_1088 = arith.select %and3A_1073, %mul3A_1085, %select_n3A_1087 : vector<16xi1>, vector<16xf32>
      %select_n3A_1089 = arith.select %lt3A_1066, %mul3A_1082, %select_n3A_1088 : vector<16xi1>, vector<16xf32>
      %swap3A = arith.constant 0 : index
      %swap3A_1090 = tpu.vector_load %arg11[%swap3A] {strides = array<i32>} : memref<16xf32, #tpu.memory_space<vmem>>, vector<16xf32>,
      %swap3A_1091 = vector.shape_cast %swap3A_1090 : vector<16xf32> to vector<16xf32>
      %swap3A_1092 = vector.shape_cast %select_n3A_1089 : vector<16xf32> to vector<16xf32>
      tpu.vector_store %arg11[%swap3A], %swap3A_1092 {strides = array<i32>} : memref<16xf32, #tpu.memory_space<vmem>>, vector<16xf32>,
      "tpu.region"() ({
        %run_scoped3A = tpu.sem_alloc : memref<!tpu.dma_semaphore, #tpu.memory_space<semaphore_mem>>
        tpu.enqueue_dma source(%arg11 : memref<16xf32, #tpu.memory_space<vmem>>) target(%arg5 : memref<16xf32, #tpu.memory_space<hbm>>) target_semaphore(%run_scoped3A : memref<!tpu.dma_semaphore, #tpu.memory_space<semaphore_mem>>)
        tpu.wait_dma2 semaphore(%run_scoped3A : memref<!tpu.dma_semaphore, #tpu.memory_space<semaphore_mem>>) src(%arg11 : memref<16xf32, #tpu.memory_space<vmem>>) dst(%arg5 : memref<16xf32, #tpu.memory_space<hbm>>)
        tpu.yield
      }) : () -> ()
    } else {
    }
    return
  }
}

</mosaic_0001>

<sc_bundles>
// kernel: kernel.3.cloned.1.call-start
scs
__scs_entry_jumppad:
0x0: {  	(pc) =	sbr.rel $0x88, $3  }
0x1: {  	(tag) =	ssettag $0x0;
	lr =	simm.s32 $0x1  }
0x2: {  	[smem:$0x3F9E] =	sst lr;
	_ =	strace $0xD0000000  }
0x3: {  	_ = 	snop  }
0x4: {  	_ = 	snop  }
0x5: {  	_ = 	snop  }
0x6: {  	_ = 	snop  }
0x7: {  	_ = 	snop  }
__scs_overlays_trampoline_lowered:
0x8: {  	[smem:$0x3FAD] =	sst s0  }
0x9: {  	[smem:$0x3FAE] =	sst s1  }
0xa: {  	[smem:$0x3FAF] =	sst s2  }
0xb: {  	[smem:$0x3FB0] =	sst s3  }
0xc: {  	[smem:$0x3FB1] =	sst s4  }
0xd: {  	[smem:$0x3FB2] =	sst s5  }
0xe: {  	[smem:$0x3FB3] =	sst s6  }
0xf: {  	[smem:$0x3FB4] =	sst s7  }
0x10: {  	[smem:$0x3FB5] =	sst s8  }
0x11: {  	[smem:$0x3FB6] =	sst s9;
	s0 =	simm.s32 @!p0 $0x0  }
0x12: {  	s1 =	sld [smem:$0x3F9C];
	s0 =	simm.s32 @p0 $0x1  }
0x13: {  	[smem:$0x3FB7] =	sst s0;
	s0 =	simm.s32 @!p1 $0x0  }
0x14: {  	s2 =	sld [smem:$0x3F9B];
	s0 =	simm.s32 @p1 $0x1  }
0x15: {  	[smem:$0x3FB8] =	sst s0;
	s0 =	simm.s32 @!p2 $0x0  }
0x16: {  	s3 =	sld [smem:$0x3FDB];
	s0 =	simm.s32 @p2 $0x1  }
0x17: {  	s4 =	simm.s32 $0x1BF5;
	[smem:$0x3FBA] =	sst s0  }
0x18: {  	s0 =	sld [smem:$0x3F9D];
	_ =	swait.ge [sflag:s4], $0x0  }
0x19: {  	s7 =	sld [smem:$0x3F9E]  }
0x1a: {  	s8 =	sadd.s32 $0xFFFFE003, lr  }
0x1b: {  	s9 =	sadd.s32 $0xFFFFFEF7, lr;
	s5 =	simm.s32 $0xFFFFFFFF;
	p2 =	slt.u32 s8, $0xFFFFF086  }
0x1c: {  	p1 =	slt.u32 s9, $0xF7A;
	s5 =	simm.s32 @!p2 $0x0  }
0x1d: {  	s5 =	simm.s32 @p1 $0x1;
	p0 =	seq.s32 s7, s2  }
0x1e: {  	s7 =	smul.u32 @!p0 $0xF7A, s2;
	p2 =	seq.s32 @!p0 s5, $0x0  }
0x1f: {  	s9 =	smul.u32 $0xF7A, s1;
	s8 =	simm.s32 @!p0 $0x1BF5;
	p2 =	por !p2, p0  }
0x20: {  	[sflag:s8] =	ssyncset.s32 @!p0 $0xFFFFF086;
	s6 =	sadd.s32 @!p0 s3, s7;
	s7 =	simm.s32 @!p0 $0x108  }
0x21: {  	s3 =	sadd.s32 s3, s9;
	s6 =	sadd.s32 @!p0 $0x88, s6;
	s7 =	simm.s32 @p2 $0x1082  }
0x22: {  	[simem:s7], [sflag:s8] =	dma.local @!p0 [hbm:s6], $0xF7A  }
0x23: {  	s9 =	sor.u32 $0xD0000000, s2;
	s6 =	simm.s32 $0x108;
	_ =	swait.ge @!p0 [sflag:s8], $0x0  }
0x24: {  	s3 =	sadd.s32 $0x88, s3;
	s6 =	simm.s32 @!p1 $0x1082;
	[sflag:s4] =	ssyncset.s32 $0xFFFFF086  }
0x25: {  	[simem:s6], [sflag:s4] =	dma.local [hbm:s3], $0xF7A  }
0x26: {  	[smem:$0x3F9E] =	sst s1;
	(tag) =	ssettag s2;
	_ =	strace s9  }
0x27: {  	s1 =	sld [smem:$0x3FAE]  }
0x28: {  	s2 =	sld [smem:$0x3FAF]  }
0x29: {  	s4 =	sld [smem:$0x3FB1]  }
0x2a: {  	p0 =	seq.s32 s5, $0x0;
	s5 =	sld [smem:$0x3FB2]  }
0x2b: {  	s6 =	sld [smem:$0x3FB3]  }
0x2c: {  	s7 =	sld [smem:$0x3FB4]  }
0x2d: {  	s3 =	simm.s32 $0x108;
	s8 =	sld [smem:$0x3FB5]  }
0x2e: {  	s3 =	simm.s32 @!p0 $0x1082;
	s9 =	sld [smem:$0x3FB6]  }
0x2f: {  	lr =	sadd.s32 s0, s3;
	s0 =	sld [smem:$0x3FAD]  }
0x30: {  	s3 =	sld [smem:$0x3FB0]  }
0x31: {  	[smem:$0x3FB9] =	sst s10  }
0x32: {  	s10 =	sld [smem:$0x3FB7];
	_ =	sdelay $0x3  }
0x33: {  	p0 =	seq.s32 s10, $0x1;
	s10 =	sld [smem:$0x3FB9];
	_ =	sdelay $0x3  }
0x34: {  	[smem:$0x3FB9] =	sst s10  }
0x35: {  	s10 =	sld [smem:$0x3FB8];
	_ =	sdelay $0x3  }
0x36: {  	p1 =	seq.s32 s10, $0x1;
	s10 =	sld [smem:$0x3FB9];
	_ =	sdelay $0x3  }
0x37: {  	[smem:$0x3FB9] =	sst s10  }
0x38: {  	s10 =	sld [smem:$0x3FBA]  }
0x39: {  	_ = 	snop;
	(pc) =	sbr.ind lr, $3  }
0x3a: {  	_ = 	snop  }
0x3b: {  	_ = 	snop  }
0x3c: {  	p2 =	seq.s32 s10, $0x1;
	s10 =	sld [smem:$0x3FB9]  }
0x3d: {  	_ =	shalt  }
0x3e: {  	_ =	shalt  }
0x3f: {  	_ =	shalt  }
0x40: {  	_ =	shalt  }
0x41: {  	_ =	shalt  }
0x42: {  	_ =	shalt  }
0x43: {  	_ =	shalt  }
0x44: {  	_ =	shalt  }
0x45: {  	_ =	shalt  }
0x46: {  	_ =	shalt  }
0x47: {  	_ =	shalt  }
0x48: {  	_ =	shalt  }
0x49: {  	_ =	shalt  }
0x4a: {  	_ =	shalt  }
0x4b: {  	_ =	shalt  }
0x4c: {  	_ =	shalt  }
0x4d: {  	_ =	shalt  }
0x4e: {  	_ =	shalt  }
0x4f: {  	_ =	shalt  }
0x50: {  	_ =	shalt  }
0x51: {  	_ =	shalt  }
0x52: {  	_ =	shalt  }
0x53: {  	_ =	shalt  }
0x54: {  	_ =	shalt  }
0x55: {  	_ =	shalt  }
0x56: {  	_ =	shalt  }
0x57: {  	_ =	shalt  }
0x58: {  	_ =	shalt  }
0x59: {  	_ =	shalt  }
0x5a: {  	_ =	shalt  }
0x5b: {  	_ =	shalt  }
0x5c: {  	_ =	shalt  }
0x5d: {  	_ =	shalt  }
0x5e: {  	_ =	shalt  }
0x5f: {  	_ =	shalt  }
0x60: {  	_ =	shalt  }
0x61: {  	_ =	shalt  }
0x62: {  	_ =	shalt  }
0x63: {  	_ =	shalt  }
0x64: {  	_ =	shalt  }
0x65: {  	_ =	shalt  }
0x66: {  	_ =	shalt  }
0x67: {  	_ =	shalt  }
0x68: {  	_ =	shalt  }
0x69: {  	_ =	shalt  }
0x6a: {  	_ =	shalt  }
0x6b: {  	_ =	shalt  }
0x6c: {  	_ =	shalt  }
0x6d: {  	_ =	shalt  }
0x6e: {  	_ =	shalt  }
0x6f: {  	_ =	shalt  }
0x70: {  	_ =	shalt  }
0x71: {  	_ =	shalt  }
0x72: {  	_ =	shalt  }
0x73: {  	_ =	shalt  }
0x74: {  	_ =	shalt  }
0x75: {  	_ =	shalt  }
0x76: {  	_ =	shalt  }
0x77: {  	_ =	shalt  }
0x78: {  	_ =	shalt  }
0x79: {  	_ =	shalt  }
0x7a: {  	_ =	shalt  }
0x7b: {  	_ =	shalt  }
0x7c: {  	_ =	shalt  }
0x7d: {  	_ =	shalt  }
0x7e: {  	_ =	shalt  }
0x7f: {  	_ =	shalt  }
0x80: {  	_ =	shalt  }
0x81: {  	_ =	shalt  }
0x82: {  	_ =	shalt  }
0x83: {  	_ =	shalt  }
0x84: {  	_ =	shalt  }
0x85: {  	_ =	shalt  }
0x86: {  	_ =	shalt  }
0x87: {  	_ =	shalt  }
.Lfunc_end0:
.L_simem_size_0:
called_computation_lowered:
.L_overlay_start_0:
0x88: {  	s0 =	sld [smem:$0x3FD9]  }
0x89: {  	s1 =	sld [smem:$0x3FFE];
	_ =	sdelay $0x3  }
0x8a: {  	s0 =	sadd.s32 s1, s0  }
0x8b: {  	[smem:$0x3FC5] =	sst s0  }
0x8c: {  	_ = 	snop  }
0x8d: {  	s0 =	sld [smem:$0x3FC9]  }
0x8e: {  	s16 =	sld [smem:$0x3FC8]  }
0x8f: {  	s2 =	sld [smem:$0x3FD0];
	(tm) =	ssettm $0x1  }
0x90: {  	s3 =	sld [smem:$0x3FFB];
	_ =	sdelay $0x3  }
0x91: {  	_ =	strace s3  }
0x92: {  	s3 =	sld [smem:$0x3FFC];
	_ =	sdelay $0x3  }
0x93: {  	_ =	strace s3  }
0x94: {  	s3 =	sld [smem:$0x3FFD];
	_ =	sdelay $0x3  }
0x95: {  	_ =	strace s3  }
0x96: {  	_ =	strace $0x8FFFFFFF  }
0x97: {  	s17 =	sld [smem:$0x3FDB];
	_ =	sdelay $0x1  }
0x98: {  	s4 =	simm.s32 $_scs_section_size  }
0x99: {  	s5 =	simm.s32 $_size__tile_overlayer_lowered;
	s6 =	simm.s32 $_tile_overlayer_lowered  }
0x9a: {  	s20 =	simm.s32 $0x1BFF;
	s19 =	sshll.u32 s6, $0x1;
	s3 =	sadd.s32 s4, s17  }
0x9b: {  	s7 =	simm.s32 $0x0;
	s18 =	sshll.u32 s5, $0x1;
	s5 =	sadd.s32 s19, s3  }
0x9c: {  	[timem:s7], [sflag:s20] =	dma.local [hbm:s5], s18  }
0x9d: {  	_ =	swait.ge [sflag:s20], s18  }
0x9e: {  	s4 =	ssub.s32 $0x0, s18;
	[sflag:s20] =	ssyncset.done $0x0  }
0x9f: {  	[sflag:s20] =	ssyncadd.s32 s4;
	_ =	sdelay $0x1  }
0xa0: {  	s21 =	simm.s32 $0x1B8B  }
0xa1: {  	_ =	swait.ge [sflag:s21], $0x1  }
0xa2: {  	[sflag:s21] =	ssyncset.done $0x0  }
0xa3: {  	s23 =	simm.s32 $0x1B8E;
	s22 =	sld [smem:$0x3FFE];
	[sflag:s21] =	ssyncadd.s32 $0xFFFFFFFF  }
0xa4: {  	s24 =	simm.s32 $execute0_lowered;
	[smem:$0x3FD2] =	sst s23  }
0xa5: {  	s5 =	sshll.u32 s24, $0x1;
	_ =	strace $0x80000046;
	[dreg:$0x1] =	wrdreg $0xFFFFFFFF  }
0xa6: {  	s25 =	simm.s32 $_size_execute0_lowered;
	s3 =	sadd.s32 s3, s5;
	[dreg:$0x0] =	wrdreg $0x0  }
0xa7: {  	s5 =	sshll.u32 s25, $0x1;
	[dreg:$0x2] =	wrdreg s3  }
0xa8: {  	[dreg:$0x3] =	wrdreg s5  }
0xa9: {  	[dreg:$0x4] =	wrdreg $0xC0  }
0xaa: {  	_ =	task [dreg:s7], $0x5FFFF  }
0xab: {  	[dreg:$0x1] =	wrdreg $0xFFFFFFFF  }
0xac: {  	[dreg:$0x0] =	wrdreg $0x60  }
0xad: {  	[dreg:$0x2] =	wrdreg s0  }
0xae: {  	[dreg:$0x3] =	wrdreg s16  }
0xaf: {  	[dreg:$0x4] =	wrdreg s2  }
0xb0: {  	[dreg:$0x5] =	wrdreg s22  }
0xb1: {  	[dreg:$0x6] =	wrdreg $0x9  }
0xb2: {  	_ =	task.clear_ibuf [dreg:s7], $0x7FFFF;
	_ =	strace $0x90000046  }
0xb3: {  	s26 =	simm.s32 $0x9;
	_ =	strace $0x80000048  }
0xb4: {  	_ =	swait.ge [sflag:s26], $0x1  }
0xb5: {  	[sflag:s26] =	ssyncadd.s32 $0xFFFFFFFF  }
0xb6: {  	_ =	strace $0x90000048  }
0xb7: {  	_ =	sfence  }
0xb8: {  	s28 =	sld [smem:$0x0];
	_ =	sdelay $0x1  }
0xb9: {  	s29 =	srdreg.scid  }
0xba: {  	s30 =	sshll.u32 s29, $0xD;
	s31 =	sshrl.u32 s29, $0x2  }
0xbb: {  	s1 =	sand.u32 $0x1, s29;
	s2 =	sand.u32 $0x4000, s30;
	s0 =	sadd.s32 s31, s28  }
0xbc: {  	s1 =	sor.u32 s2, s1;
	s0 =	sshll.u32 s0, $0x11  }
0xbd: {  	s0 =	sor.u32 s0, s1  }
0xbe: {  	s0 =	sadd.s32 $0x8F2B, s0  }
0xbf: {  	[sflag:s0] =	ssyncadd.remote.s32 $0x1  }
0xc0: {  	_ =	sfence.sel $0xFFFF  }
0xc1: {  	[dreg:$0x0] =	wrdreg $0xFFFFFFFF;
	(pc) =	sbr.abs _section_cstart, $3  }
0xc2: {  	[dreg:$0x1] =	wrdreg $0xFFFFFFFF  }
0xc3: {  	_ =	task.clear_ibuf [dreg:s7], $0x2FFFF;
	_ =	strace $0x9FFFFFFF  }
0xc4: {  	(tm) =	ssettm $0x7FFFFFFF  }
0xc5: {  	_ =	shalt  }
tec
execute0_lowered:
.L_overlay_start_1:
0x0: {  	(tag) =	ssettag $0x1  }
0x1: {  	s6 =	stileid.u32  }
0x2: {  	s5 =	rddreg [dreg:$0x0];
	p0 =	sne.s32 s6, $0x0  }
.Ltmp0:
0x3: {  	s4 =	rddreg [dreg:$0x1];
	(pc) =	sbr.rel @p0 .LBB2_2-.Ltmp0, $4  }
0x4: {  	s3 =	rddreg [dreg:$0x2]  }
0x5: {  	s2 =	rddreg [dreg:$0x3];
	s1 =	simm.s32 $0x0  }
0x6: {  	[smem:$0x7FF] =	sst s1  }
0x7: {  	s0 =	rddreg [dreg:$0x4];
	_ =	strace $0x80000047  }
0x8: {  	[tilespmem:s1], [sflag:$0x2] =	stream.linear.gather [hbm4b:s3+s1], $0x80, $0x38;
	[tilespmem:$0xD00] =	vst v63  }
0x9: {  	s24 =	simm.s32 $0x2  }
0xa: {  	_ =	swait.ge [sflag:s24], $0x80  }
0xb: {  	[sflag:s24] =	ssyncset.done $0x0  }
0xc: {  	[sflag:s24] =	ssyncadd.s32 $0xFFFFFF80  }
0xd: {  	v8 =	vld [tilespmem:$0x0];
	_ =	sdelay $0x4  }
0xe: {  	v0 =	vand.u32 $0xFFFFFF80, v8  }
0xf: {  	vm0 =	vlt.s32 v0, $0x18600  }
0x10: {  	v0 =	vnsel vm0, $0x18600, v0  }
0x11: {  	(v2sf) =	vpush v0, $0x0;
	_ =	sdelay $0x2  }
0x12: {  	(v2sf) =	vpush v8, $0x0;
	_ =	sdelay $0xb  }
0x13: {  	s8 =	simm.s32 $0x400;
	s9 =	simm.s32 $0xC3800;
	s6 =	spop (v2sf)  }
0x14: {  	s10 =	simm.s32 $0x80;
	s26 =	simm.s32 $0x200;
	s7 =	sadd.s32 s5, s6  }
0x15: {  	[tilespmem:s10], [sflag:$0x1] =	stream.strided.gather [hbm4b:s7+s8], $0x0, s9, s8, $0x38;
	[tilespmem:$0xD00] =	vst v63  }
0x16: {  	s28 =	simm.s32 $0x61C00;
	s6 =	sshrl.u32 s6, $0x1;
	s25 =	spop (v2sf)  }
0x17: {  	[tilespmem:s10], [sflag:$0x1] =	stream.linear.gather [hbm4b:s7+s1], $0x300, $0x38;
	[tilespmem:$0xD00] =	vst v63  }
0x18: {  	s29 =	simm.s32 $0x880;
	s6 =	sadd.s32 s4, s6;
	p1 =	slt.s32 s25, $0x18680  }
0x19: {  	[tilespmem:s29], [sflag:$0x1] =	stream.strided.gather [hbm4b:s6+s26], $0x0, s28, s26, $0x38;
	[tilespmem:$0xD00] =	vst v63  }
0x1a: {  	s5 =	sadd.s32 @!p1 $0x18680, s5  }
0x1b: {  	[tilespmem:s29], [sflag:$0x1] =	stream.linear.gather [hbm4b:s6+s1], $0x180, $0x38;
	[tilespmem:$0xD00] =	vst v63  }
0x1c: {  	s8 =	simm.s32 @!p1 $0x480;
	s7 =	simm.s32 @!p1 $0xC3800;
	s6 =	simm.s32 @!p1 $0x400  }
0x1d: {  	[tilespmem:s8], [sflag:$0x1] =	stream.strided.gather @!p1 [hbm4b:s5+s6], $0x0, s7, s6, $0x38;
	[tilespmem:$0xD00] =	vst v63  }
0x1e: {  	s4 =	sadd.s32 @!p1 $0xC340, s4;
	s6 =	simm.s32 @!p1 $0x0  }
0x1f: {  	[tilespmem:s8], [sflag:$0x1] =	stream.linear.gather @!p1 [hbm4b:s5+s6], $0x300, $0x38;
	[tilespmem:$0xD00] =	vst v63  }
0x20: {  	s7 =	simm.s32 @!p1 $0x61C00;
	s5 =	simm.s32 @!p1 $0x200;
	s8 =	simm.s32 @!p1 $0xA80  }
0x21: {  	[tilespmem:s8], [sflag:$0x1] =	stream.strided.gather @!p1 [hbm4b:s4+s5], $0x0, s7, s5, $0x38;
	[tilespmem:$0xD00] =	vst v63  }
0x22: {  	_ = 	snop  }
0x23: {  	[tilespmem:s8], [sflag:$0x1] =	stream.linear.gather @!p1 [hbm4b:s4+s6], $0x180, $0x38;
	[tilespmem:$0xD00] =	vst v63  }
0x24: {  	s4 =	simm.s32 @!p1 $0x1  }
0x25: {  	_ =	swait.ge @!p1 [sflag:s4], $0x300  }
0x26: {  	[sflag:s4] =	ssyncset.done @!p1 $0x0  }
0x27: {  	[sflag:s4] =	ssyncadd.s32 @!p1 $0xFFFFFD00  }
0x28: {  	_ =	swait.ge @!p1 [sflag:s4], $0x180  }
0x29: {  	[sflag:s4] =	ssyncset.done @!p1 $0x0  }
0x2a: {  	s30 =	simm.s32 $0x1;
	[sflag:s4] =	ssyncadd.s32 @!p1 $0xFFFFFE80  }
0x2b: {  	_ =	swait.ge [sflag:s30], $0x300  }
0x2c: {  	[sflag:s30] =	ssyncset.done $0x0  }
0x2d: {  	[sflag:s30] =	ssyncadd.s32 $0xFFFFFD00  }
0x2e: {  	_ =	swait.ge [sflag:s30], $0x180  }
0x2f: {  	[sflag:s30] =	ssyncset.done $0x0  }
0x30: {  	[sflag:s30] =	ssyncadd.s32 $0xFFFFFE80  }
0x31: {  	v9 =	vld [tilespmem:$0x480]  }
0x32: {  	v10 =	vld [tilespmem:$0x490]  }
0x33: {  	v2 =	vld [tilespmem:$0x80]  }
0x34: {  	v3 =	vld [tilespmem:$0x90]  }
0x35: {  	v4 =	vld [tilespmem:$0xA0]  }
0x36: {  	v5 =	vld [tilespmem:$0xB0]  }
0x37: {  	v11 =	vld [tilespmem:$0xC0]  }
0x38: {  	v12 =	vld [tilespmem:$0xD0]  }
0x39: {  	v13 =	vld [tilespmem:$0xE0]  }
0x3a: {  	v14 =	vld [tilespmem:$0xF0]  }
0x3b: {  	v15 =	vld [tilespmem:$0x500]  }
0x3c: {  	v16 =	vld [tilespmem:$0x510]  }
0x3d: {  	v17 =	vld [tilespmem:$0x100]  }
0x3e: {  	v18 =	vld [tilespmem:$0x110]  }
0x3f: {  	v19 =	vld [tilespmem:$0x120]  }
0x40: {  	v20 =	vld [tilespmem:$0x130]  }
0x41: {  	v22 =	vld [tilespmem:$0x140]  }
0x42: {  	v24 =	vld [tilespmem:$0x150]  }
0x43: {  	vm0 =	vgt.s32 v8, $0x1867F;
	v0 =	vsub.s32 $0x0, v0;
	v25 =	vld [tilespmem:$0x160]  }
0x44: {  	v0 =	vsel vm0, $0xFFFE7980, v0;
	v26 =	vld [tilespmem:$0x170]  }
0x45: {  	v0 =	vadd.s32 v8, v0;
	v27 =	vld [tilespmem:$0x580]  }
0x46: {  	v21 =	vshra.s32 v0, $0x4;
	v28 =	vld [tilespmem:$0x590]  }
0x47: {  	v23 =	vimm.f32 $0.0e+00;
	vm10 =	vcmask $0x318;
	vm1 =	veq.s32 v21, $0x0;
	v29 =	vld [tilespmem:$0x180]  }
0x48: {  	vm2 =	veq.s32 v21, $0x1;
	vm4 =	veq.s32 v21, $0x2;
	vm5 =	veq.s32 v21, $0x3;
	v30 =	vld [tilespmem:$0x190]  }
0x49: {  	v1 =	vsel vm1, $0x3F800000, v23;
	v0 =	vsel vm2, $0x3F800000, v23;
	v7 =	vsel vm4, $0x3F800000, v23;
	v31 =	vld [tilespmem:$0x1A0]  }
0x4a: {  	v6 =	vsel vm5, $0x3F800000, v23;
	v32 =	vld [tilespmem:$0x1B0];
	v2 =	vmul.f32 v2, v1;
	v3 =	vmul.f32 v3, v0  }
0x4b: {  	vm11 =	vcmask $0x718;
	v33 =	vld [tilespmem:$0x1C0];
	v50 =	vmul.f32 v4, v7;
	v51 =	vmul.f32 v5, v6  }
0x4c: {  	vm12 =	vcmask $0xB18;
	v60 =	vld [tilespmem:$0x200];
	v17 =	vmul.f32 v17, v1;
	v18 =	vmul.f32 v18, v0  }
0x4d: {  	vm13 =	vcmask $0xF18;
	v63 =	vld [tilespmem:$0x210];
	v9 =	vmul.f32 v9, v1;
	v10 =	vmul.f32 v10, v0  }
0x4e: {  	vm14 =	vcmask $0x1318;
	v52 =	vld [tilespmem:$0x1D0];
	v56 =	vmul.f32 v19, v7;
	v57 =	vmul.f32 v29, v1  }
0x4f: {  	v8 =	vand.u32 $0xF, v8;
	v49 =	vld [tilespmem:$0x690];
	v58 =	vmul.f32 v30, v0;
	v59 =	vmul.f32 v20, v6  }
0x50: {  	vm6 =	veq.s32 v21, $0x4;
	v53 =	vld [tilespmem:$0x1E0];
	v62 =	vmul.f32 v31, v7;
	v15 =	vmul.f32 v15, v1  }
0x51: {  	vm7 =	veq.s32 v21, $0x5;
	v55 =	vld [tilespmem:$0x1F0];
	v36 =	vmul.f32 v32, v6;
	v16 =	vmul.f32 v16, v0  }
0x52: {  	vm8 =	veq.s32 v21, $0x6;
	v35 =	vld [tilespmem:$0x220];
	v46 =	vmul.f32 v60, v1;
	v47 =	vmul.f32 v63, v0  }
0x53: {  	v39 =	vld [tilespmem:$0x240];
	v4 =	vsel vm6, $0x3F800000, v23;
	v27 =	vmul.f32 v27, v1;
	v28 =	vmul.f32 v28, v0  }
0x54: {  	v5 =	vsel vm7, $0x3F800000, v23;
	v19 =	vld [tilespmem:$0x600];
	v49 =	vmul.f32 v49, v0;
	v11 =	vmul.f32 v11, v4  }
0x55: {  	vm9 =	veq.s32 v21, $0x7;
	v30 =	vld [tilespmem:$0x610];
	v12 =	vmul.f32 v12, v5;
	v34 =	vmul.f32 v22, v4  }
0x56: {  	v60 =	vld [tilespmem:$0x310];
	v38 =	vmul.f32 v24, v5;
	v2 =	vadd.f32 v3, v2;
	v17 =	vadd.f32 v18, v17  }
0x57: {  	v63 =	vld [tilespmem:$0x320];
	v40 =	vmul.f32 v33, v4;
	v9 =	vadd.f32 v10, v9;
	v61 =	vadd.f32 v58, v57  }
0x58: {  	v37 =	vld [tilespmem:$0x230];
	v44 =	vmul.f32 v52, v5;
	v15 =	vadd.f32 v16, v15;
	v16 =	vadd.f32 v47, v46  }
0x59: {  	v43 =	vld [tilespmem:$0x260];
	v18 =	vmul.f32 v35, v7;
	v58 =	vmul.f32 v39, v4;
	v2 =	vadd.f32 v50, v2  }
0x5a: {  	v52 =	vld [tilespmem:$0x290];
	v17 =	vadd.f32 v56, v17;
	v10 =	vadd.f32 v62, v61;
	v19 =	vmul.f32 v19, v1  }
0x5b: {  	v41 =	vld [tilespmem:$0x250];
	v16 =	vadd.f32 v18, v16;
	v30 =	vmul.f32 v30, v0;
	v24 =	vmul.f32 v60, v0  }
0x5c: {  	v45 =	vld [tilespmem:$0x270];
	v20 =	vmul.f32 v63, v7;
	v3 =	vadd.f32 v51, v2;
	v2 =	vsel vm8, $0x3F800000, v23  }
0x5d: {  	v39 =	vld [tilespmem:$0x350];
	v31 =	vadd.f32 v59, v17;
	v54 =	vmul.f32 v13, v2;
	v42 =	vmul.f32 v25, v2  }
0x5e: {  	v50 =	vld [tilespmem:$0x280];
	v10 =	vadd.f32 v36, v10;
	v48 =	vmul.f32 v53, v2;
	v53 =	vmul.f32 v37, v6  }
0x5f: {  	v47 =	vld [tilespmem:$0x370];
	v13 =	vmul.f32 v52, v0;
	v17 =	vmul.f32 v43, v2;
	v19 =	vadd.f32 v30, v19  }
0x60: {  	v59 =	vld [tilespmem:$0x300];
	v11 =	vadd.f32 v11, v3;
	v3 =	vsel vm9, $0x3F800000, v23;
	v10 =	vadd.f32 v40, v10  }
0x61: {  	v33 =	vld [tilespmem:$0x330];
	v14 =	vmul.f32 v14, v3;
	v51 =	vmul.f32 v55, v3;
	v55 =	vadd.f32 v28, v27  }
0x62: {  	v25 =	vld [tilespmem:$0x680];
	v26 =	vmul.f32 v26, v3;
	v57 =	vadd.f32 v53, v16;
	v11 =	vadd.f32 v12, v11  }
0x63: {  	v37 =	vld [tilespmem:$0x2F0];
	v62 =	vmul.f32 v50, v1;
	v36 =	vmul.f32 v45, v3;
	v10 =	vadd.f32 v44, v10  }
0x64: {  	v40 =	vld [tilespmem:$0x700];
	v16 =	vmul.f32 v39, v5;
	v53 =	vmul.f32 v47, v3;
	v11 =	vadd.f32 v54, v11  }
0x65: {  	v56 =	vld [tilespmem:$0x2B0];
	v12 =	vmul.f32 v41, v5;
	v18 =	vmul.f32 v59, v1;
	v10 =	vadd.f32 v48, v10  }
0x66: {  	v41 =	vmul.f32 v33, v6;
	v54 =	vld [tilespmem:$0x2A0];
	v11 =	vadd.f32 v14, v11;
	v14 =	vadd.f32 v34, v31  }
0x67: {  	v61 =	vld [tilespmem:$0x2C0];
	v13 =	vadd.f32 v13, v62;
	v48 =	vmul.f32 v25, v1;
	v18 =	vadd.f32 v24, v18  }
0x68: {  	v50 =	vmul.f32 v37, v3;
	v10 =	vadd.f32 v51, v10;
	v14 =	vadd.f32 v38, v14  }
0x69: {  	v52 =	vmul.f32 v40, v1;
	v51 =	vadd.f32 v49, v48;
	v18 =	vadd.f32 v20, v18  }
0x6a: {  	v31 =	vld [tilespmem:$0x2D0];
	v20 =	vimm.s32 $0x68435102;
	v9 =	vsel vm0, v9, v11;
	v14 =	vadd.f32 v42, v14  }
0x6b: {  	v34 =	vld [tilespmem:$0x2E0];
	v10 =	vsel vm0, v55, v10;
	v11 =	vmul.f32 v56, v6;
	v32 =	vmul.f32 v54, v7  }
0x6c: {  	v35 =	vld [tilespmem:$0x340];
	v38 =	vmul.f32 v61, v4;
	v55 =	vimm.s32 $0x43210210;
	v14 =	vadd.f32 v26, v14  }
0x6d: {  	v45 =	vld [tilespmem:$0x710];
	v56 =	vimm.s32 $0x35435435;
	v9 =	vperm.xlane v9, v8;
	v13 =	vadd.f32 v32, v13  }
0x6e: {  	v10 =	vperm.xlane v10, v8;
	v14 =	vsel vm0, v15, v14;
	v15 =	vadd.f32 v58, v57  }
0x6f: {  	v18 =	vadd.f32 v41, v18;
	v11 =	vadd.f32 v11, v13;
	v14 =	vperm.xlane v14, v8  }
0x70: {  	v44 =	vld [tilespmem:$0x360];
	v43 =	vmul.f32 v31, v5;
	v46 =	vmul.f32 v34, v2;
	v12 =	vadd.f32 v12, v15  }
0x71: {  	v42 =	vadd.f32 v38, v11;
	v9 =	vsel vm10, v9, v14;
	v14 =	vmul.f32 v35, v4  }
0x72: {  	v57 =	vimm.s32 $0x43543210;
	v15 =	vmul.f32 v45, v0;
	v12 =	vadd.f32 v17, v12  }
0x73: {  	v9 =	vsel vm11, v9, v10;
	v10 =	vadd.f32 v43, v42;
	v14 =	vadd.f32 v14, v18  }
0x74: {  	v11 =	vadd.f32 v15, v52;
	v15 =	vunpack.c.l.s4.s8 v57;
	v12 =	vadd.f32 v36, v12  }
0x75: {  	v13 =	vmul.f32 v44, v2;
	v10 =	vadd.f32 v46, v10;
	v14 =	vadd.f32 v16, v14  }
0x76: {  	v18 =	vimm.s32 $0x87354021;
	v60 =	vunpack.c.0.s8.s32 v15;
	v15 =	vunpack.c.l.s4.s8 v20  }
0x77: {  	v12 =	vsel vm0, v19, v12;
	v10 =	vadd.f32 v50, v10;
	v13 =	vadd.f32 v13, v14  }
0x78: {  	v16 =	vimm.s32 $0xFCED9BA6;
	v12 =	vperm.xlane v12, v8;
	v14 =	vunpack.c.l.s4.s8 v56  }
0x79: {  	v10 =	vsel vm0, v51, v10;
	v54 =	vadd.f32 v53, v13;
	v13 =	vunpack.c.l.s4.s8 v55  }
0x7a: {  	v17 =	vunpack.c.l.s4.s8 v16;
	v9 =	vsel vm12, v9, v12;
	v10 =	vperm.xlane v10, v8  }
0x7b: {  	v59 =	vunpack.c.0.s8.s32 v14;
	v11 =	vsel vm0, v11, v54;
	v58 =	vunpack.c.0.s8.s32 v13  }
0x7c: {  	v19 =	vimm.s32 $0xFDCEA9B7;
	v9 =	vsel vm13, v9, v10;
	v61 =	vperm.xlane v11, v8  }
0x7d: {  	v63 =	vcombine.low v60, v59;
	v13 =	vunpack.c.l.s4.s8 v18;
	v62 =	vcombine.low v58, v59  }
0x7e: {  	v29 =	vld [tilespmem:$0xA80];
	v14 =	vunpack.c.l.s4.s8 v19;
	v10 =	vunpack.c.0.s8.s32 v17;
	v9 =	vsel vm14, v9, v61  }
0x7f: {  	v30 =	vld [tilespmem:$0x8D0];
	v13 =	vunpack.c.0.s8.s32 v13;
	v11 =	vperm.xlane v9, v62;
	v12 =	vperm.xlane v9, v63  }
0x80: {  	v23 =	vld [tilespmem:$0x880];
	v22 =	vunpack.c.0.s8.s32 v15  }
0x81: {  	v27 =	vld [tilespmem:$0x8C0];
	v21 =	vunpack.c.0.s8.s32 v14;
	v10 =	vcombine.low v13, v10;
	v11 =	vmul.f32 v12, v11  }
0x82: {  	v47 =	vld [tilespmem:$0x950]  }
0x83: {  	v25 =	vld [tilespmem:$0x8A0];
	v12 =	vcombine.low v22, v21;
	v10 =	vperm.xlane v11, v10  }
0x84: {  	v24 =	vld [tilespmem:$0x890]  }
0x85: {  	v40 =	vld [tilespmem:$0x920];
	v10 =	vadd.f32 v10, v11;
	v11 =	vperm.xlane v11, v12  }
0x86: {  	v32 =	vld [tilespmem:$0x8E0]  }
0x87: {  	vm15 =	vcmask $0x30C;
	v34 =	vld [tilespmem:$0x8F0];
	v11 =	vadd.f32 v11, v10  }
0x88: {  	vm4 =	vcmask $0x70C;
	vm5 =	vcmask $0x2F18;
	v31 =	vld [tilespmem:$0xA90];
	v10 =	vimm.s32 $0x0  }
0x89: {  	vm6 =	vcmask $0x2F1C;
	vm7 =	vcmask $0x1F1C;
	v35 =	vld [tilespmem:$0x900];
	v28 =	vperm.xlane v11, v10  }
0x8a: {  	vm8 =	vcmask $0x2F2C;
	vm9 =	vcmask $0x3B30;
	v33 =	vmul.f32 v27, v4;
	v42 =	vld [tilespmem:$0xB00]  }
0x8b: {  	v39 =	vimm.s32 $0x3;
	v48 =	vmul.f32 v40, v7;
	v26 =	vld [tilespmem:$0x8B0];
	(erf) = vrcp.f32 v28  }
0x8c: {  	v44 =	vld [tilespmem:$0x930];
	v38 =	vmul.f32 v32, v2;
	v41 =	vmul.f32 v34, v3;
	v45 =	vimm.s32 $0x6  }
0x8d: {  	v37 =	vld [tilespmem:$0x910];
	vm10 =	vcmask $0x3F30;
	v15 =	vmul.f32 v24, v0;
	v14 =	vmul.f32 v23, v1  }
0x8e: {  	vm11 =	vcmask $0xF0C;
	v36 =	vmul.f32 v30, v5;
	v30 =	vld [tilespmem:$0x9D0];
	v20 =	vmul.f32 v35, v1  }
0x8f: {  	v16 =	vmul.f32 v42, v1;
	v53 =	vld [tilespmem:$0x9A0];
	v14 =	vadd.f32 v15, v14;
	v13 =	vmul.f32 v25, v7  }
0x90: {  	v19 =	vmul.f32 v31, v0;
	vm12 =	vcmask $0x3F2C;
	v18 =	vmul.f32 v29, v1  }
0x91: {  	v54 =	vld [tilespmem:$0xB10];
	v23 =	vmul.f32 v44, v6;
	v13 =	vadd.f32 v13, v14;
	v12 =	vmul.f32 v26, v6  }
0x92: {  	vm13 =	vcmask $0x3F1C;
	v15 =	vmul.f32 v37, v0;
	v18 =	vadd.f32 v19, v18  }
0x93: {  	v46 =	vld [tilespmem:$0x940];
	v19 =	vmul.f32 v47, v5;
	v12 =	vadd.f32 v12, v13;
	v14 =	vperm.xlane v11, v39  }
0x94: {  	v49 =	vld [tilespmem:$0x980];
	v5 =	vmul.f32 v30, v5;
	v15 =	vadd.f32 v15, v20;
	v7 =	vmul.f32 v53, v7;
	v43 =	vpop (erf)  }
0x95: {  	v63 =	vld [tilespmem:$0xB80];
	v53 =	vimm.s32 $0x3030504;
	v12 =	vadd.f32 v33, v12;
	v22 =	vmul.f32 v43, v14  }
0x96: {  	v62 =	vmul.f32 v54, v0;
	v54 =	vlaneseq.u32;
	v15 =	vadd.f32 v48, v15  }
0x97: {  	v11 =	vperm.xlane v11, v45;
	v12 =	vadd.f32 v36, v12;
	v14 =	vmul.f32 v22, v14  }
0x98: {  	v51 =	vld [tilespmem:$0x990];
	v16 =	vadd.f32 v62, v16;
	v15 =	vadd.f32 v23, v15;
	v13 =	vmul.f32 v46, v4  }
0x99: {  	v56 =	vld [tilespmem:$0x960];
	v21 =	vmul.f32 v49, v1;
	v12 =	vadd.f32 v38, v12;
	v11 =	vsub.f32 v11, v14  }
0x9a: {  	v57 =	vld [tilespmem:$0x9B0];
	v1 =	vmul.f32 v63, v1;
	v13 =	vadd.f32 v13, v15;
	v50 =	vshra.s32 v28, $0x1  }
0x9b: {  	v35 =	vld [tilespmem:$0x9F0];
	v12 =	vadd.f32 v41, v12;
	v55 =	vshra.s32 v11, $0x1;
	v11 =	vmul.f32 $5.000000000e-01, v11  }
0x9c: {  	v59 =	vld [tilespmem:$0x970];
	v17 =	vmul.f32 $5.000000000e-01, v28;
	v52 =	vsub.s32 $0x5F3759DF, v50;
	v26 =	vsub.s32 $0x5F3759DF, v55  }
0x9d: {  	v60 =	vld [tilespmem:$0x9C0];
	v12 =	vsel vm0, v18, v12;
	v18 =	vmul.f32 v51, v0;
	v58 =	vmul.f32 v26, v11  }
0x9e: {  	v13 =	vadd.f32 v19, v13;
	v28 =	vmul.f32 v56, v2;
	v24 =	vmul.f32 v52, v17  }
0x9f: {  	v34 =	vld [tilespmem:$0x9E0];
	v6 =	vmul.f32 v57, v6;
	v18 =	vadd.f32 v18, v21;
	v61 =	vmul.f32 v26, v58  }
0xa0: {  	v57 =	vimm.s32 $0x5050403;
	v13 =	vadd.f32 v28, v13;
	v24 =	vmul.f32 v52, v24  }
0xa1: {  	v31 =	vld [tilespmem:$0xB90];
	v33 =	vmul.f32 v59, v3;
	v7 =	vadd.f32 v7, v18;
	v20 =	vsub.f32 $1.500000000e+00, v61  }
0xa2: {  	v4 =	vmul.f32 v60, v4;
	v3 =	vmul.f32 v35, v3;
	v24 =	vsub.f32 $1.500000000e+00, v24  }
0xa3: {  	v13 =	vadd.f32 v33, v13;
	v6 =	vadd.f32 v6, v7;
	v20 =	vmul.f32 v26, v20  }
0xa4: {  	v2 =	vmul.f32 v34, v2;
	v50 =	vimm.s32 $0x201;
	v14 =	vmul.f32 v52, v24  }
0xa5: {  	v13 =	vsel vm0, v16, v13;
	v4 =	vadd.f32 v4, v6;
	v37 =	vmul.f32 v20, v11  }
0xa6: {  	v0 =	vmul.f32 v31, v0;
	v51 =	vimm.s32 $0x3040305;
	v32 =	vmul.f32 v14, v17  }
0xa7: {  	v42 =	vperm.xlane v12, v8;
	v4 =	vadd.f32 v5, v4;
	v39 =	vmul.f32 v37, v20  }
0xa8: {  	v44 =	vperm.xlane v13, v8;
	v52 =	vimm.s32 $0x10002;
	v36 =	vmul.f32 v32, v14  }
0xa9: {  	v7 =	vunpack.c.0.s8.s32 v52;
	v2 =	vadd.f32 v2, v4;
	v41 =	vsub.f32 $1.500000000e+00, v39  }
0xaa: {  	v0 =	vadd.f32 v0, v1;
	v5 =	vunpack.c.0.s8.s32 v51;
	v38 =	vsub.f32 $1.500000000e+00, v36  }
0xab: {  	v7 =	vnsel vm6, $0x0, v7;
	v45 =	vadd.f32 v3, v2;
	v6 =	vmul.f32 v41, v20  }
0xac: {  	v5 =	vnsel vm6, $0x3, v5;
	v2 =	vunpack.c.0.s8.s32 v50;
	v40 =	vmul.f32 v38, v14  }
0xad: {  	v5 =	vperm.xlane v9, v5;
	v0 =	vsel vm0, v0, v45;
	v48 =	vmul.f32 v6, v11  }
0xae: {  	v2 =	vnsel vm5, $0x0, v2;
	v0 =	vperm.xlane v0, v8;
	v43 =	vmul.f32 v40, v17  }
0xaf: {  	v8 =	vunpack.c.0.s8.s32 v53;
	v2 =	vperm.xlane v9, v2;
	v4 =	vmul.f32 v48, v6  }
0xb0: {  	v60 =	vsel vm7, $0x1, v10;
	v7 =	vperm.xlane v9, v7;
	v46 =	vmul.f32 v43, v40  }
0xb1: {  	v8 =	vnsel vm5, $0x3, v8;
	v2 =	vmul.f32 v5, v2;
	v4 =	vsub.f32 $1.500000000e+00, v4  }
0xb2: {  	v8 =	vperm.xlane v9, v8;
	v49 =	vsub.f32 $1.500000000e+00, v46;
	v11 =	vand.u32 $0x3, v54  }
0xb3: {  	v56 =	vperm.xlane v9, v11;
	v55 =	vmul.f32 v4, v6;
	v6 =	vunpack.c.0.s8.s32 v57  }
0xb4: {  	v47 =	vsel vm15, v42, v44;
	v58 =	vmul.f32 v8, v7;
	v1 =	vmul.f32 v49, v40  }
0xb5: {  	v0 =	vsel vm4, v47, v0;
	v61 =	vmul.f32 v56, v22;
	v6 =	vperm.xlane v9, v6  }
0xb6: {  	v5 =	vsel vm8, $0x2, v60;
	v2 =	vsub.f32 v2, v58;
	v59 =	vmul.f32 v55, v1  }
0xb7: {  	v63 =	vimm.f32 $1.000000000e+00;
	v0 =	vperm.xlane v0, v5;
	v62 =	vsub.f32 v6, v61  }
0xb8: {  	vm0 =	vmor vm11, vm7;
	v2 =	vmul.f32 v59, v2;
	v6 =	vsel vm9, $0x0, v63  }
0xb9: {  	vm0 =	vmor vm0, vm12;
	v0 =	vsel vm10, v6, v0;
	v3 =	vmul.f32 v55, v62  }
0xba: {  	vm14 =	vmor vm11, vm13;
	v1 =	vmul.f32 v1, v56;
	v0 =	vsel vm0, v0, v2  }
0xbb: {  	vm15 =	vmmov $0x7;
	v0 =	vsel vm14, v0, v3  }
0xbc: {  	v0 =	vsel vm15, v1, v0  }
0xbd: {  	s2 =	sadd.s32 $0x400, s2;
	s31 =	simm.s32 $0xC80;
	[tilespmem:$0xC80] =	vst v0  }
0xbe: {  	[hbm4b:s2+s1] =	stream.linear.scatter [tilespmem:s31], [sflag:$0x2], $0x80, $0x38;
	[tilespmem:$0xD00] =	vst v63  }
0xbf: {  	_ =	swait.ge [sflag:s24], $0x80  }
0xc0: {  	[sflag:s24] =	ssyncset.done $0x0  }
0xc1: {  	[sflag:s24] =	ssyncadd.s32 $0xFFFFFF80  }
.LBB2_2:
0xc2: {  	_ =	sfence.sel $0x180000  }
0xc3: {  	[bflag:$0x0] =	sbarrier.arrive $0xFFFF  }
0xc4: {  	_ =	strace $0x90000047  }
0xc5: {  	s0 =	sadd.s32 @!p0 $0x100000, s0;
	[bflag:$0x2] =	sbarrier.arrive $0xFFFF  }
0xc6: {  	[sflag:s0] =	ssyncadd.tile.s32 @!p0 $0x1;
	_ =	shalt  }
.Lfunc_end2:
_tile_overlayer_lowered:
.L_overlay_start_2:
0xc7: {  	(tag) =	ssettag $0x2  }
0xc8: {  	s0 =	rddreg [dreg:$0x0];
	s2 =	stileid.u32  }
0xc9: {  	s1 =	rddreg [dreg:$0x1];
	p0 =	sne.s32 s2, $0x0  }
0xca: {  	s3 =	rddreg [dreg:$0x2];
	[bflag:$0x3] =	sbarrier.arrive $0xFFFF;
	s2 =	simm.s32 @!p0 $0x1C02  }
0xcb: {  	[timem:s3], [sflag:s2] =	dma.local @!p0 [hbm:s0], s1  }
0xcc: {  	s0 =	simm.s32 @!p0 $0x2  }
0xcd: {  	_ =	swait.ge @!p0 [sflag:s0], s1  }
0xce: {  	s1 =	ssub.s32 @!p0 $0x0, s1;
	[sflag:s0] =	ssyncset.done @!p0 $0x0  }
0xcf: {  	[sflag:s0] =	ssyncadd.s32 @!p0 s1  }
0xd0: {  	[bflag:$0x3] =	sbarrier.arrive $0xFFFF  }
0xd1: {  	_ =	shalt  }

</sc_bundles>
